<compile_context>
chip_gen: v7x
topology: tpu7x:2x2x1
jax: 0.10.2.dev20260603
libtpu: 0.0.44.dev20260713+nightly
codegen_flags: <defaults>
</compile_context>

<pallas_src>
import functools

import jax
import jax.numpy as jnp
from jax import lax
from jax.experimental import pallas as pl
from jax.experimental.pallas import tpu as pltpu
from jax.experimental.pallas import tpu_sc as plsc

_B = 16
_SEQ = 2048
_ENC = 1024
_T = 50

_NC = 2
_NS = 16
_NW = _NC * _NS
_LANES = 16
_PAIRS = _B * _T
_ROWS_PER_W = _PAIRS // _NW
_IDX_W = 32
_CHUNKS = _ENC // _LANES


def _sc_body(table_hbm, ids_hbm, conw_hbm, e_hbm, ids_v, idx_a, idx_b,
             rows_a, rows_b, w_v, e_v, sem, sem_b, sem_w):
    wid = lax.axis_index("s") * _NC + lax.axis_index("c")
    b = wid // 2
    half = wid % 2
    cp_w = pltpu.async_copy(conw_hbm.at[0, pl.ds(_ENC, _ENC)], w_v, sem_w)
    base = wid * _ROWS_PER_W
    abase = (base // 8) * 8
    sh = base - abase
    pltpu.sync_copy(ids_hbm.at[pl.ds(abase, 32)], ids_v.at[pl.ds(0, 32)])
    lane = lax.iota(jnp.int32, _LANES)
    off = b * _SEQ
    nb = _ROWS_PER_W - _LANES
    idx_a[pl.ds(0, _LANES)] = ids_v[pl.ds(sh, _LANES)] + off
    tail = ids_v[pl.ds(sh + _LANES, _LANES)] + off
    npad = _IDX_W - _ROWS_PER_W
    pad_vals = wid * npad + (lane - nb)
    idx_b[pl.ds(0, _LANES)] = jnp.where(lane < nb, tail, pad_vals)
    cp_a = pltpu.async_copy(table_hbm.at[idx_a], rows_a, sem)
    cp_b = pltpu.async_copy(table_hbm.at[idx_b], rows_b, sem_b)
    cp_w.wait()

    def make_mac(rows_ref, nrows):
        def mac(l, accs):
            off = l * _LANES
            w_c = w_v[pl.ds(off, _LANES)]
            return tuple(accs[r] + rows_ref[r, pl.ds(off, _LANES)] * w_c
                         for r in range(nrows))
        return mac
    zero = jnp.zeros((_LANES,), jnp.float32)
    cp_a.wait()
    accs_a = lax.fori_loop(0, _CHUNKS, make_mac(rows_a, _LANES),
                           (zero,) * _LANES)
    cp_b.wait()
    accs_b = lax.fori_loop(0, _CHUNKS, make_mac(rows_b, nb), (zero,) * nb)
    for r, acc in enumerate(accs_a + accs_b):
        e_v[pl.ds(r * _LANES, _LANES)] = acc
    for r in range(_ROWS_PER_W, _IDX_W):
        e_v[pl.ds(r * _LANES, _LANES)] = zero
    pltpu.sync_copy(e_v, e_hbm.at[b, pl.ds(half * (_IDX_W * _LANES),
                                           _IDX_W * _LANES)])


@functools.lru_cache(maxsize=1)
def _sc_gather_dot():
    return functools.partial(
        pl.kernel,
        mesh=plsc.VectorSubcoreMesh(core_axis_name="c", subcore_axis_name="s"),
        out_type=jax.ShapeDtypeStruct((_B, 2 * _IDX_W * _LANES), jnp.float32),
        scratch_types=[
            pltpu.VMEM((48,), jnp.int32),
            pltpu.VMEM((_LANES,), jnp.int32),
            pltpu.VMEM((_LANES,), jnp.int32),
            pltpu.VMEM((_LANES, _ENC), jnp.float32),
            pltpu.VMEM((_LANES, _ENC), jnp.float32),
            pltpu.VMEM((_ENC,), jnp.float32),
            pltpu.VMEM((_IDX_W * _LANES,), jnp.float32),
            pltpu.SemaphoreType.DMA,
            pltpu.SemaphoreType.DMA,
            pltpu.SemaphoreType.DMA,
        ],
    )(_sc_body)


def _loss_body(x_ref, out_ref):
    x = x_ref[:, :]
    _W = _IDX_W * _LANES
    ii = lax.broadcasted_iota(jnp.int32, (2 * _W, _T), 0)
    tt = lax.broadcasted_iota(jnp.int32, (2 * _W, _T), 1)
    slot = (ii % _W) // _LANES
    half = ii // _W
    fold = jnp.where((slot < _ROWS_PER_W) & (half * _ROWS_PER_W + slot == tt),
                     jnp.float32(1.0), jnp.float32(0.0))
    e = jnp.dot(x, fold, preferred_element_type=jnp.float32)
    kcol = lax.broadcasted_iota(jnp.int32, (_B, _T), 1)
    valid = kcol >= 1
    m = jnp.max(jnp.where(valid, e, jnp.float32(-1e30)), axis=1, keepdims=True)
    ex = jnp.where(valid, jnp.exp(e - m), jnp.float32(0.0))
    ki = lax.broadcasted_iota(jnp.int32, (_T, _T), 0)
    ji = lax.broadcasted_iota(jnp.int32, (_T, _T), 1)
    tri = jnp.where(ki >= ji + 1, jnp.float32(1.0), jnp.float32(0.0))
    suf = jnp.dot(ex, tri, preferred_element_type=jnp.float32)
    total = (jnp.sum(jnp.log(suf[:, : _T - 1]))
             + jnp.float32(_T - 1) * jnp.sum(m)
             - jnp.sum(e[:, 1:]))
    out_ref[0, 0] = total / jnp.float32(_B * (_T - 1))


def _loss_call(x):
    out = pl.pallas_call(
        _loss_body,
        out_shape=jax.ShapeDtypeStruct((1, 1), jnp.float32),
        in_specs=[pl.BlockSpec((_B, 2 * _IDX_W * _LANES), lambda: (0, 0))],
        out_specs=pl.BlockSpec(memory_space=pltpu.SMEM),
    )(x)
    return out[0, 0]


def kernel(encoder_output, his_turn_end_ids, W_ih, W_hh, b_ih, b_hh, con_W, con_b):
    table = encoder_output.reshape(_B * _SEQ, _ENC)
    ids_flat = his_turn_end_ids.astype(jnp.int32).reshape(_PAIRS)
    x = _sc_gather_dot()(table, ids_flat, con_W)
    return _loss_call(x)

# --- scband reference (transcript-rebuilt; emitter-appended) ---
"""Pipeline reference for scband-dli-loss-full-6614249636379 (READ-ONLY COPY).

The authoritative reference and input builder live on the scoring server;
editing this copy changes nothing except your own understanding.
"""

import jax, jax.numpy as jnp
import numpy as np

ENC = 1024
HID = 1024
BSZ = 16
SEQ = 2048
T = 50


def setup_inputs(seed: int = 0) -> dict:
    key = jax.random.key(seed)
    ks = jax.random.split(key, 8)
    encoder_output = jax.random.normal(ks[0], (BSZ, SEQ, ENC), dtype=jnp.float32)
    his_turn_end_ids = jnp.sort(jax.random.randint(ks[1], (BSZ, T), 0, SEQ), axis=-1)
    s = 1.0 / np.sqrt(HID)
    W_ih = jax.random.uniform(ks[2], (4 * HID, ENC), minval=-s, maxval=s, dtype=jnp.float32)
    W_hh = jax.random.uniform(ks[3], (4 * HID, HID), minval=-s, maxval=s, dtype=jnp.float32)
    b_ih = jax.random.uniform(ks[4], (4 * HID,), minval=-s, maxval=s, dtype=jnp.float32)
    b_hh = jax.random.uniform(ks[5], (4 * HID,), minval=-s, maxval=s, dtype=jnp.float32)
    sc = 1.0 / np.sqrt(ENC + HID)
    con_W = jax.random.uniform(ks[6], (1, HID + ENC), minval=-sc, maxval=sc, dtype=jnp.float32)
    con_b = jax.random.uniform(ks[7], (1,), minval=-sc, maxval=sc, dtype=jnp.float32)
    return {"encoder_output": encoder_output, "his_turn_end_ids": his_turn_end_ids,
            "W_ih": W_ih, "W_hh": W_hh, "b_ih": b_ih, "b_hh": b_hh,
            "con_W": con_W, "con_b": con_b}


def _lstm(x, W_ih, W_hh, b_ih, b_hh):
    # x: [B, T, ENC] batch_first unidirectional single-layer LSTM (PyTorch gate order i,f,g,o)
    bsz = x.shape[0]
    H = W_hh.shape[1]

    def step(carry, xt):
        h, c = carry
        gates = xt @ W_ih.T + b_ih + h @ W_hh.T + b_hh
        i, f, g, o = jnp.split(gates, 4, axis=-1)
        i = jax.nn.sigmoid(i)
        f = jax.nn.sigmoid(f)
        g = jnp.tanh(g)
        o = jax.nn.sigmoid(o)
        c = f * c + i * g
        h = o * jnp.tanh(c)
        return (h, c), h

    h0 = jnp.zeros((bsz, H), dtype=x.dtype)
    c0 = jnp.zeros((bsz, H), dtype=x.dtype)
    _, hs = jax.lax.scan(step, (h0, c0), jnp.swapaxes(x, 0, 1))
    return jnp.swapaxes(hs, 0, 1)  # [B, T, H]


def reference(encoder_output, his_turn_end_ids, W_ih, W_hh, b_ih, b_hh, con_W, con_b):
    # gather turn-end hidden states: [B, T, ENC] (all sequences have T turns, so no padding needed)
    his_turn_states = jnp.take_along_axis(encoder_output, his_turn_end_ids[:, :, None], axis=1)
    # uni-directional LSTM over turn dimension
    turns_encoder_out = _lstm(his_turn_states, W_ih, W_hh, b_ih, b_hh)  # [B, T, HID]
    # con_fc(concat([lstm_out_j, state_k])) decomposes into two matvecs:
    w_lstm = con_W[0, :HID]  # weight for current_step_encoder_out (lstm output)
    w_enc = con_W[0, HID:]   # weight for his_turn_states[k]
    # L[b, j, k] = logit for pair (j, k)
    L = (turns_encoder_out @ w_lstm)[:, :, None] + (his_turn_states @ w_enc)[:, None, :] + con_b[0]
    Tn = his_turn_states.shape[1]
    losses = []
    for j in range(Tn - 1):
        logits = L[:, j, j + 1:]  # [B, Tn-1-j], ground truth class is index 0 (k = j+1)
        loss_j = -logits[:, 0] + jax.nn.logsumexp(logits, axis=-1)
        losses.append(loss_j)
    all_losses = jnp.concatenate(losses)
    return jnp.mean(all_losses)

if __name__ == "__main__":
    import jax
    _d = setup_inputs()
    print(jax.jit(kernel)(*tuple(_d.values())))

</pallas_src>

<mosaic_0001>
#map = affine_map<(d0, d1) -> (0, 0)>
#map1 = affine_map<(d0, d1) -> (0)>
module attributes {stable_mosaic.version = 14 : i64} {
  func.func @_sc_body(%arg0: i32, %arg1: i32, %arg2: memref<32768x1024xf32, #tpu.memory_space<hbm>>, %arg3: memref<800xi32, #tpu.memory_space<hbm>>, %arg4: memref<1x2048xf32, #tpu.memory_space<hbm>>, %arg5: memref<16x1024xf32, #tpu.memory_space<hbm>>, %arg6: memref<48xi32, #tpu.memory_space<vmem>>, %arg7: memref<16xi32, #tpu.memory_space<vmem>>, %arg8: memref<16xi32, #tpu.memory_space<vmem>>, %arg9: memref<16x1024xf32, #tpu.memory_space<vmem>>, %arg10: memref<16x1024xf32, #tpu.memory_space<vmem>>, %arg11: memref<1024xf32, #tpu.memory_space<vmem>>, %arg12: memref<512xf32, #tpu.memory_space<vmem>>, %arg13: memref<!tpu.dma_semaphore, #tpu.memory_space<semaphore_mem>>, %arg14: memref<!tpu.dma_semaphore, #tpu.memory_space<semaphore_mem>>, %arg15: memref<!tpu.dma_semaphore, #tpu.memory_space<semaphore_mem>>) attributes {dimension_semantics = [#tpu.dimension_semantics<core_parallel>, #tpu.dimension_semantics<subcore_parallel>], iteration_bounds = array<i64: 2, 16>, scalar_prefetch = 0 : i64, scratch_operands = 10 : i64, tpu.core_type = #tpu.core_type<sc_vector_subcore>, window_params = [{transform_indices = #map}, {transform_indices = #map1}, {transform_indices = #map}, {transform_indices = #map}]} {
    %mul3A = arith.constant 2 : i32
    %mul3A_0 = arith.muli %arg1, %mul3A : i32
    %add3A = arith.addi %mul3A_0, %arg0 : i32
    %jit3A = arith.constant 2 : i32
    %div3A = arith.divsi %add3A, %jit3A : i32
    %sign3A = arith.constant 0 : i32
    %sign3A_1 = arith.cmpi sgt, %add3A, %sign3A : i32
    %sign3A_2 = arith.extui %sign3A_1 : i1 to i32
    %sign3A_3 = arith.constant 0 : i32
    %sign3A_4 = arith.cmpi slt, %add3A, %sign3A_3 : i32
    %sign3A_5 = arith.extui %sign3A_4 : i1 to i32
    %sign3A_6 = arith.subi %sign3A_2, %sign3A_5 : i32
    %sign3A_7 = arith.constant 0 : i32
    %sign3A_8 = arith.cmpi sgt, %jit3A, %sign3A_7 : i32
    %sign3A_9 = arith.extui %sign3A_8 : i1 to i32
    %sign3A_10 = arith.constant 0 : i32
    %sign3A_11 = arith.cmpi slt, %jit3A, %sign3A_10 : i32
    %sign3A_12 = arith.extui %sign3A_11 : i1 to i32
    %sign3A_13 = arith.subi %sign3A_9, %sign3A_12 : i32
    %ne3A = arith.cmpi ne, %sign3A_6, %sign3A_13 : i32
    %rem3A = arith.remsi %add3A, %jit3A : i32
    %ne3A_14 = arith.constant 0 : i32
    %ne3A_15 = arith.cmpi ne, %rem3A, %ne3A_14 : i32
    %and3A = arith.andi %ne3A, %ne3A_15 : i1
    %sub3A = arith.constant 1 : i32
    %sub3A_16 = arith.subi %div3A, %sub3A : i32
    %select_n3A = arith.select %and3A, %sub3A_16, %div3A : i32
    %jit3A_17 = arith.constant 2 : i32
    %eq3A = arith.constant 0 : i32
    %eq3A_18 = arith.cmpi eq, %jit3A_17, %eq3A : i32
    %jit3A_19 = arith.constant 1 : i32
    %select_n3A_20 = arith.select %eq3A_18, %jit3A_19, %jit3A_17 : i32
    %rem3A_21 = arith.remsi %add3A, %select_n3A_20 : i32
    %ne3A_22 = arith.constant 0 : i32
    %ne3A_23 = arith.cmpi ne, %rem3A_21, %ne3A_22 : i32
    %lt3A = arith.constant 0 : i32
    %lt3A_24 = arith.cmpi slt, %rem3A_21, %lt3A : i32
    %lt3A_25 = arith.constant 0 : i32
    %lt3A_26 = arith.cmpi slt, %select_n3A_20, %lt3A_25 : i32
    %ne3A_27 = arith.xori %lt3A_24, %lt3A_26 : i1
    %and3A_28 = arith.andi %ne3A_27, %ne3A_23 : i1
    %add3A_29 = arith.addi %rem3A_21, %select_n3A_20 : i32
    %select_n3A_30 = arith.select %and3A_28, %add3A_29, %rem3A_21 : i32
    %dma_start3A = arith.constant 0 : i32
    %dma_start3A_31 = arith.constant 1024 : i32
    %dma_start3A_32 = tpu.memref_slice %arg4[%dma_start3A, %dma_start3A_31] : memref<1x2048xf32, #tpu.memory_space<hbm>> -> memref<1x1024xf32, #tpu.memory_space<hbm>>
    %dma_start3A_33 = tpu.memref_squeeze %dma_start3A_32 : memref<1x1024xf32, #tpu.memory_space<hbm>> -> memref<1024xf32, #tpu.memory_space<hbm>>
    %dma_start3A_34 = arith.constant 1024 : i32
    %dma_start3A_35 = tpu.memref_slice %arg4[%dma_start3A, %dma_start3A_34] : memref<1x2048xf32, #tpu.memory_space<hbm>> -> memref<1x1024xf32, #tpu.memory_space<hbm>>
    %dma_start3A_36 = tpu.memref_squeeze %dma_start3A_35 : memref<1x1024xf32, #tpu.memory_space<hbm>> -> memref<1024xf32, #tpu.memory_space<hbm>>
    tpu.enqueue_dma source(%dma_start3A_36 : memref<1024xf32, #tpu.memory_space<hbm>>) target(%arg11 : memref<1024xf32, #tpu.memory_space<vmem>>) target_semaphore(%arg15 : memref<!tpu.dma_semaphore, #tpu.memory_space<semaphore_mem>>)
    %mul3A_37 = arith.constant 25 : i32
    %mul3A_38 = arith.muli %add3A, %mul3A_37 : i32
    %jit3A_39 = arith.constant 8 : i32
    %div3A_40 = arith.divsi %mul3A_38, %jit3A_39 : i32
    %sign3A_41 = arith.constant 0 : i32
    %sign3A_42 = arith.cmpi sgt, %mul3A_38, %sign3A_41 : i32
    %sign3A_43 = arith.extui %sign3A_42 : i1 to i32
    %sign3A_44 = arith.constant 0 : i32
    %sign3A_45 = arith.cmpi slt, %mul3A_38, %sign3A_44 : i32
    %sign3A_46 = arith.extui %sign3A_45 : i1 to i32
    %sign3A_47 = arith.subi %sign3A_43, %sign3A_46 : i32
    %sign3A_48 = arith.constant 0 : i32
    %sign3A_49 = arith.cmpi sgt, %jit3A_39, %sign3A_48 : i32
    %sign3A_50 = arith.extui %sign3A_49 : i1 to i32
    %sign3A_51 = arith.constant 0 : i32
    %sign3A_52 = arith.cmpi slt, %jit3A_39, %sign3A_51 : i32
    %sign3A_53 = arith.extui %sign3A_52 : i1 to i32
    %sign3A_54 = arith.subi %sign3A_50, %sign3A_53 : i32
    %ne3A_55 = arith.cmpi ne, %sign3A_47, %sign3A_54 : i32
    %rem3A_56 = arith.remsi %mul3A_38, %jit3A_39 : i32
    %ne3A_57 = arith.constant 0 : i32
    %ne3A_58 = arith.cmpi ne, %rem3A_56, %ne3A_57 : i32
    %and3A_59 = arith.andi %ne3A_55, %ne3A_58 : i1
    %sub3A_60 = arith.constant 1 : i32
    %sub3A_61 = arith.subi %div3A_40, %sub3A_60 : i32
    %select_n3A_62 = arith.select %and3A_59, %sub3A_61, %div3A_40 : i32
    %mul3A_63 = arith.constant 8 : i32
    %mul3A_64 = arith.muli %select_n3A_62, %mul3A_63 : i32
    %sub3A_65 = arith.subi %mul3A_38, %mul3A_64 : i32
    "tpu.region"() ({
      %run_scoped3A = tpu.sem_alloc : memref<!tpu.dma_semaphore, #tpu.memory_space<semaphore_mem>>
      %dma_start3A_257 = arith.constant 0 : i32
      %dma_start3A_258 = tpu.memref_slice %arg6[%dma_start3A_257] : memref<48xi32, #tpu.memory_space<vmem>> -> memref<32xi32, #tpu.memory_space<vmem>>
      %dma_start3A_259 = tpu.memref_slice %arg3[%mul3A_64] : memref<800xi32, #tpu.memory_space<hbm>> -> memref<32xi32, #tpu.memory_space<hbm>>
      %dma_start3A_260 = arith.constant 0 : i32
      %dma_start3A_261 = tpu.memref_slice %arg6[%dma_start3A_260] : memref<48xi32, #tpu.memory_space<vmem>> -> memref<32xi32, #tpu.memory_space<vmem>>
      %dma_start3A_262 = tpu.memref_slice %arg3[%mul3A_64] : memref<800xi32, #tpu.memory_space<hbm>> -> memref<32xi32, #tpu.memory_space<hbm>>
      tpu.enqueue_dma source(%dma_start3A_262 : memref<32xi32, #tpu.memory_space<hbm>>) target(%dma_start3A_261 : memref<32xi32, #tpu.memory_space<vmem>>) target_semaphore(%run_scoped3A : memref<!tpu.dma_semaphore, #tpu.memory_space<semaphore_mem>>)
      %dma_wait3A_263 = arith.constant 0 : i32
      %dma_wait3A_264 = tpu.memref_slice %arg6[%dma_wait3A_263] : memref<48xi32, #tpu.memory_space<vmem>> -> memref<32xi32, #tpu.memory_space<vmem>>
      %dma_wait3A_265 = tpu.memref_slice %arg3[%mul3A_64] : memref<800xi32, #tpu.memory_space<hbm>> -> memref<32xi32, #tpu.memory_space<hbm>>
      %dma_wait3A_266 = arith.constant 0 : i32
      %dma_wait3A_267 = tpu.memref_slice %arg6[%dma_wait3A_266] : memref<48xi32, #tpu.memory_space<vmem>> -> memref<32xi32, #tpu.memory_space<vmem>>
      %dma_wait3A_268 = tpu.memref_slice %arg3[%mul3A_64] : memref<800xi32, #tpu.memory_space<hbm>> -> memref<32xi32, #tpu.memory_space<hbm>>
      tpu.wait_dma2 semaphore(%run_scoped3A : memref<!tpu.dma_semaphore, #tpu.memory_space<semaphore_mem>>) src(%dma_wait3A_268 : memref<32xi32, #tpu.memory_space<hbm>>) dst(%dma_wait3A_267 : memref<32xi32, #tpu.memory_space<vmem>>)
      tpu.yield
    }) : () -> ()
    %iota3A = tpu.iota {dimensions = array<i32: 0>} : vector<16xi32>
    %mul3A_66 = arith.constant 2048 : i32
    %mul3A_67 = arith.muli %select_n3A, %mul3A_66 : i32
    %get3A = arith.index_cast %sub3A_65 : i32 to index
    %get3A_68 = tpu.vector_load %arg6[%get3A] {strides = array<i32>} : memref<48xi32, #tpu.memory_space<vmem>>, vector<16xi32>,
    %get3A_69 = vector.shape_cast %get3A_68 : vector<16xi32> to vector<16xi32>
    %add3A_70 = vector.broadcast %mul3A_67 : i32 to vector<16xi32>
    %add3A_71 = arith.addi %get3A_69, %add3A_70 : vector<16xi32>
    %swap3A = arith.constant 0 : index
    %swap3A_72 = tpu.vector_load %arg7[%swap3A] {strides = array<i32>} : memref<16xi32, #tpu.memory_space<vmem>>, vector<16xi32>,
    %swap3A_73 = vector.shape_cast %swap3A_72 : vector<16xi32> to vector<16xi32>
    %swap3A_74 = vector.shape_cast %add3A_71 : vector<16xi32> to vector<16xi32>
    tpu.vector_store %arg7[%swap3A], %swap3A_74 {strides = array<i32>} : memref<16xi32, #tpu.memory_space<vmem>>, vector<16xi32>,
    %add3A_75 = arith.constant 16 : i32
    %add3A_76 = arith.addi %sub3A_65, %add3A_75 : i32
    %get3A_77 = arith.index_cast %add3A_76 : i32 to index
    %get3A_78 = tpu.vector_load %arg6[%get3A_77] {strides = array<i32>} : memref<48xi32, #tpu.memory_space<vmem>>, vector<16xi32>,
    %get3A_79 = vector.shape_cast %get3A_78 : vector<16xi32> to vector<16xi32>
    %add3A_80 = vector.broadcast %mul3A_67 : i32 to vector<16xi32>
    %add3A_81 = arith.addi %get3A_79, %add3A_80 : vector<16xi32>
    %mul3A_82 = arith.constant 7 : i32
    %mul3A_83 = arith.muli %add3A, %mul3A_82 : i32
    %sub3A_84 = arith.constant 9 : i32
    %sub3A_85 = vector.broadcast %sub3A_84 : i32 to vector<16xi32>
    %sub3A_86 = arith.subi %iota3A, %sub3A_85 : vector<16xi32>
    %add3A_87 = vector.broadcast %mul3A_83 : i32 to vector<16xi32>
    %add3A_88 = arith.addi %add3A_87, %sub3A_86 : vector<16xi32>
    %lt3A_89 = arith.constant 9 : i32
    %lt3A_90 = vector.broadcast %lt3A_89 : i32 to vector<16xi32>
    %lt3A_91 = arith.cmpi slt, %iota3A, %lt3A_90 : vector<16xi32>
    %select_n3A_92 = arith.select %lt3A_91, %add3A_81, %add3A_88 : vector<16xi1>, vector<16xi32>
    %swap3A_93 = arith.constant 0 : index
    %swap3A_94 = tpu.vector_load %arg8[%swap3A_93] {strides = array<i32>} : memref<16xi32, #tpu.memory_space<vmem>>, vector<16xi32>,
    %swap3A_95 = vector.shape_cast %swap3A_94 : vector<16xi32> to vector<16xi32>
    %swap3A_96 = vector.shape_cast %select_n3A_92 : vector<16xi32> to vector<16xi32>
    tpu.vector_store %arg8[%swap3A_93], %swap3A_96 {strides = array<i32>} : memref<16xi32, #tpu.memory_space<vmem>>, vector<16xi32>,
    %dma_start3A_97 = arith.constant 0 : i32
    %dma_start3A_98 = arith.constant 0 : i32
    %dma_start3A_99 = tpu.memref_slice %arg2[%dma_start3A_97, %dma_start3A_98] : memref<32768x1024xf32, #tpu.memory_space<hbm>> -> memref<32768x1024xf32, #tpu.memory_space<hbm>>
    tpu.enqueue_indirect_dma source(%dma_start3A_99 : memref<32768x1024xf32, #tpu.memory_space<hbm>>) target(%arg9 : memref<16x1024xf32, #tpu.memory_space<vmem>>) offsets(%arg7 : memref<16xi32, #tpu.memory_space<vmem>>) semaphore(%arg13 : memref<!tpu.dma_semaphore, #tpu.memory_space<semaphore_mem>>)
    %dma_start3A_100 = arith.constant 0 : i32
    %dma_start3A_101 = arith.constant 0 : i32
    %dma_start3A_102 = tpu.memref_slice %arg2[%dma_start3A_100, %dma_start3A_101] : memref<32768x1024xf32, #tpu.memory_space<hbm>> -> memref<32768x1024xf32, #tpu.memory_space<hbm>>
    tpu.enqueue_indirect_dma source(%dma_start3A_102 : memref<32768x1024xf32, #tpu.memory_space<hbm>>) target(%arg10 : memref<16x1024xf32, #tpu.memory_space<vmem>>) offsets(%arg8 : memref<16xi32, #tpu.memory_space<vmem>>) semaphore(%arg14 : memref<!tpu.dma_semaphore, #tpu.memory_space<semaphore_mem>>)
    %dma_wait3A = arith.constant 0 : i32
    %dma_wait3A_103 = arith.constant 1024 : i32
    %dma_wait3A_104 = tpu.memref_slice %arg4[%dma_wait3A, %dma_wait3A_103] : memref<1x2048xf32, #tpu.memory_space<hbm>> -> memref<1x1024xf32, #tpu.memory_space<hbm>>
    %dma_wait3A_105 = tpu.memref_squeeze %dma_wait3A_104 : memref<1x1024xf32, #tpu.memory_space<hbm>> -> memref<1024xf32, #tpu.memory_space<hbm>>
    %dma_wait3A_106 = arith.constant 1024 : i32
    %dma_wait3A_107 = tpu.memref_slice %arg4[%dma_wait3A, %dma_wait3A_106] : memref<1x2048xf32, #tpu.memory_space<hbm>> -> memref<1x1024xf32, #tpu.memory_space<hbm>>
    %dma_wait3A_108 = tpu.memref_squeeze %dma_wait3A_107 : memref<1x1024xf32, #tpu.memory_space<hbm>> -> memref<1024xf32, #tpu.memory_space<hbm>>
    tpu.wait_dma2 semaphore(%arg15 : memref<!tpu.dma_semaphore, #tpu.memory_space<semaphore_mem>>) src(%dma_wait3A_108 : memref<1024xf32, #tpu.memory_space<hbm>>) dst(%arg11 : memref<1024xf32, #tpu.memory_space<vmem>>)
    %broadcast_in_dim3A = arith.constant 0.000000e+00 : f32
    %broadcast_in_dim3A_109 = vector.broadcast %broadcast_in_dim3A : f32 to vector<16xf32>
    %dma_wait3A_110 = arith.constant 0 : i32
    %dma_wait3A_111 = arith.constant 0 : i32
    %dma_wait3A_112 = tpu.memref_slice %arg2[%dma_wait3A_110, %dma_wait3A_111] : memref<32768x1024xf32, #tpu.memory_space<hbm>> -> memref<32768x1024xf32, #tpu.memory_space<hbm>>
    tpu.wait_indirect_dma semaphore(%arg13 : memref<!tpu.dma_semaphore, #tpu.memory_space<semaphore_mem>>) src(%dma_wait3A_112 : memref<32768x1024xf32, #tpu.memory_space<hbm>>) dst(%arg9 : memref<16x1024xf32, #tpu.memory_space<vmem>>)
    %scan3A = arith.constant 0 : i32
    %scan3A_113 = arith.constant 64 : i32
    %scan3A_114 = arith.addi %scan3A, %scan3A_113 : i32
    %scan3A_115 = arith.constant 1 : i32
    %scan3A_116:16 = scf.for %scan3A_257 = %scan3A to %scan3A_114 step %scan3A_115 iter_args(%scan3A_258 = %broadcast_in_dim3A_109, %scan3A_259 = %broadcast_in_dim3A_109, %scan3A_260 = %broadcast_in_dim3A_109, %scan3A_261 = %broadcast_in_dim3A_109, %scan3A_262 = %broadcast_in_dim3A_109, %scan3A_263 = %broadcast_in_dim3A_109, %scan3A_264 = %broadcast_in_dim3A_109, %scan3A_265 = %broadcast_in_dim3A_109, %scan3A_266 = %broadcast_in_dim3A_109, %scan3A_267 = %broadcast_in_dim3A_109, %scan3A_268 = %broadcast_in_dim3A_109, %scan3A_269 = %broadcast_in_dim3A_109, %scan3A_270 = %broadcast_in_dim3A_109, %scan3A_271 = %broadcast_in_dim3A_109, %scan3A_272 = %broadcast_in_dim3A_109, %scan3A_273 = %broadcast_in_dim3A_109) -> (vector<16xf32>, vector<16xf32>, vector<16xf32>, vector<16xf32>, vector<16xf32>, vector<16xf32>, vector<16xf32>, vector<16xf32>, vector<16xf32>, vector<16xf32>, vector<16xf32>, vector<16xf32>, vector<16xf32>, vector<16xf32>, vector<16xf32>, vector<16xf32>)  : i32 {
      %mul3A_274 = arith.constant 16 : i32
      %mul3A_275 = arith.muli %scan3A_257, %mul3A_274 : i32
      %get3A_276 = arith.index_cast %mul3A_275 : i32 to index
      %get3A_277 = tpu.vector_load %arg11[%get3A_276] {strides = array<i32>} : memref<1024xf32, #tpu.memory_space<vmem>>, vector<16xf32>,
      %get3A_278 = vector.shape_cast %get3A_277 : vector<16xf32> to vector<16xf32>
      %get3A_279 = arith.constant 0 : i32
      %get3A_280 = arith.index_cast %get3A_279 : i32 to index
      %get3A_281 = arith.index_cast %mul3A_275 : i32 to index
      %get3A_282 = tpu.vector_load %arg9[%get3A_280, %get3A_281] {strides = array<i32>} : memref<16x1024xf32, #tpu.memory_space<vmem>>, vector<1x16xf32>,
      %get3A_283 = vector.shape_cast %get3A_282 : vector<1x16xf32> to vector<16xf32>
      %mul3A_284 = arith.mulf %get3A_283, %get3A_278 : vector<16xf32>
      %add3A_285 = arith.addf %scan3A_258, %mul3A_284 : vector<16xf32>
      %get3A_286 = arith.constant 1 : i32
      %get3A_287 = arith.index_cast %get3A_286 : i32 to index
      %get3A_288 = arith.index_cast %mul3A_275 : i32 to index
      %get3A_289 = tpu.vector_load %arg9[%get3A_287, %get3A_288] {strides = array<i32>} : memref<16x1024xf32, #tpu.memory_space<vmem>>, vector<1x16xf32>,
      %get3A_290 = vector.shape_cast %get3A_289 : vector<1x16xf32> to vector<16xf32>
      %mul3A_291 = arith.mulf %get3A_290, %get3A_278 : vector<16xf32>
      %add3A_292 = arith.addf %scan3A_259, %mul3A_291 : vector<16xf32>
      %get3A_293 = arith.constant 2 : i32
      %get3A_294 = arith.index_cast %get3A_293 : i32 to index
      %get3A_295 = arith.index_cast %mul3A_275 : i32 to index
      %get3A_296 = tpu.vector_load %arg9[%get3A_294, %get3A_295] {strides = array<i32>} : memref<16x1024xf32, #tpu.memory_space<vmem>>, vector<1x16xf32>,
      %get3A_297 = vector.shape_cast %get3A_296 : vector<1x16xf32> to vector<16xf32>
      %mul3A_298 = arith.mulf %get3A_297, %get3A_278 : vector<16xf32>
      %add3A_299 = arith.addf %scan3A_260, %mul3A_298 : vector<16xf32>
      %get3A_300 = arith.constant 3 : i32
      %get3A_301 = arith.index_cast %get3A_300 : i32 to index
      %get3A_302 = arith.index_cast %mul3A_275 : i32 to index
      %get3A_303 = tpu.vector_load %arg9[%get3A_301, %get3A_302] {strides = array<i32>} : memref<16x1024xf32, #tpu.memory_space<vmem>>, vector<1x16xf32>,
      %get3A_304 = vector.shape_cast %get3A_303 : vector<1x16xf32> to vector<16xf32>
      %mul3A_305 = arith.mulf %get3A_304, %get3A_278 : vector<16xf32>
      %add3A_306 = arith.addf %scan3A_261, %mul3A_305 : vector<16xf32>
      %get3A_307 = arith.constant 4 : i32
      %get3A_308 = arith.index_cast %get3A_307 : i32 to index
      %get3A_309 = arith.index_cast %mul3A_275 : i32 to index
      %get3A_310 = tpu.vector_load %arg9[%get3A_308, %get3A_309] {strides = array<i32>} : memref<16x1024xf32, #tpu.memory_space<vmem>>, vector<1x16xf32>,
      %get3A_311 = vector.shape_cast %get3A_310 : vector<1x16xf32> to vector<16xf32>
      %mul3A_312 = arith.mulf %get3A_311, %get3A_278 : vector<16xf32>
      %add3A_313 = arith.addf %scan3A_262, %mul3A_312 : vector<16xf32>
      %get3A_314 = arith.constant 5 : i32
      %get3A_315 = arith.index_cast %get3A_314 : i32 to index
      %get3A_316 = arith.index_cast %mul3A_275 : i32 to index
      %get3A_317 = tpu.vector_load %arg9[%get3A_315, %get3A_316] {strides = array<i32>} : memref<16x1024xf32, #tpu.memory_space<vmem>>, vector<1x16xf32>,
      %get3A_318 = vector.shape_cast %get3A_317 : vector<1x16xf32> to vector<16xf32>
      %mul3A_319 = arith.mulf %get3A_318, %get3A_278 : vector<16xf32>
      %add3A_320 = arith.addf %scan3A_263, %mul3A_319 : vector<16xf32>
      %get3A_321 = arith.constant 6 : i32
      %get3A_322 = arith.index_cast %get3A_321 : i32 to index
      %get3A_323 = arith.index_cast %mul3A_275 : i32 to index
      %get3A_324 = tpu.vector_load %arg9[%get3A_322, %get3A_323] {strides = array<i32>} : memref<16x1024xf32, #tpu.memory_space<vmem>>, vector<1x16xf32>,
      %get3A_325 = vector.shape_cast %get3A_324 : vector<1x16xf32> to vector<16xf32>
      %mul3A_326 = arith.mulf %get3A_325, %get3A_278 : vector<16xf32>
      %add3A_327 = arith.addf %scan3A_264, %mul3A_326 : vector<16xf32>
      %get3A_328 = arith.constant 7 : i32
      %get3A_329 = arith.index_cast %get3A_328 : i32 to index
      %get3A_330 = arith.index_cast %mul3A_275 : i32 to index
      %get3A_331 = tpu.vector_load %arg9[%get3A_329, %get3A_330] {strides = array<i32>} : memref<16x1024xf32, #tpu.memory_space<vmem>>, vector<1x16xf32>,
      %get3A_332 = vector.shape_cast %get3A_331 : vector<1x16xf32> to vector<16xf32>
      %mul3A_333 = arith.mulf %get3A_332, %get3A_278 : vector<16xf32>
      %add3A_334 = arith.addf %scan3A_265, %mul3A_333 : vector<16xf32>
      %get3A_335 = arith.constant 8 : i32
      %get3A_336 = arith.index_cast %get3A_335 : i32 to index
      %get3A_337 = arith.index_cast %mul3A_275 : i32 to index
      %get3A_338 = tpu.vector_load %arg9[%get3A_336, %get3A_337] {strides = array<i32>} : memref<16x1024xf32, #tpu.memory_space<vmem>>, vector<1x16xf32>,
      %get3A_339 = vector.shape_cast %get3A_338 : vector<1x16xf32> to vector<16xf32>
      %mul3A_340 = arith.mulf %get3A_339, %get3A_278 : vector<16xf32>
      %add3A_341 = arith.addf %scan3A_266, %mul3A_340 : vector<16xf32>
      %get3A_342 = arith.constant 9 : i32
      %get3A_343 = arith.index_cast %get3A_342 : i32 to index
      %get3A_344 = arith.index_cast %mul3A_275 : i32 to index
      %get3A_345 = tpu.vector_load %arg9[%get3A_343, %get3A_344] {strides = array<i32>} : memref<16x1024xf32, #tpu.memory_space<vmem>>, vector<1x16xf32>,
      %get3A_346 = vector.shape_cast %get3A_345 : vector<1x16xf32> to vector<16xf32>
      %mul3A_347 = arith.mulf %get3A_346, %get3A_278 : vector<16xf32>
      %add3A_348 = arith.addf %scan3A_267, %mul3A_347 : vector<16xf32>
      %get3A_349 = arith.constant 10 : i32
      %get3A_350 = arith.index_cast %get3A_349 : i32 to index
      %get3A_351 = arith.index_cast %mul3A_275 : i32 to index
      %get3A_352 = tpu.vector_load %arg9[%get3A_350, %get3A_351] {strides = array<i32>} : memref<16x1024xf32, #tpu.memory_space<vmem>>, vector<1x16xf32>,
      %get3A_353 = vector.shape_cast %get3A_352 : vector<1x16xf32> to vector<16xf32>
      %mul3A_354 = arith.mulf %get3A_353, %get3A_278 : vector<16xf32>
      %add3A_355 = arith.addf %scan3A_268, %mul3A_354 : vector<16xf32>
      %get3A_356 = arith.constant 11 : i32
      %get3A_357 = arith.index_cast %get3A_356 : i32 to index
      %get3A_358 = arith.index_cast %mul3A_275 : i32 to index
      %get3A_359 = tpu.vector_load %arg9[%get3A_357, %get3A_358] {strides = array<i32>} : memref<16x1024xf32, #tpu.memory_space<vmem>>, vector<1x16xf32>,
      %get3A_360 = vector.shape_cast %get3A_359 : vector<1x16xf32> to vector<16xf32>
      %mul3A_361 = arith.mulf %get3A_360, %get3A_278 : vector<16xf32>
      %add3A_362 = arith.addf %scan3A_269, %mul3A_361 : vector<16xf32>
      %get3A_363 = arith.constant 12 : i32
      %get3A_364 = arith.index_cast %get3A_363 : i32 to index
      %get3A_365 = arith.index_cast %mul3A_275 : i32 to index
      %get3A_366 = tpu.vector_load %arg9[%get3A_364, %get3A_365] {strides = array<i32>} : memref<16x1024xf32, #tpu.memory_space<vmem>>, vector<1x16xf32>,
      %get3A_367 = vector.shape_cast %get3A_366 : vector<1x16xf32> to vector<16xf32>
      %mul3A_368 = arith.mulf %get3A_367, %get3A_278 : vector<16xf32>
      %add3A_369 = arith.addf %scan3A_270, %mul3A_368 : vector<16xf32>
      %get3A_370 = arith.constant 13 : i32
      %get3A_371 = arith.index_cast %get3A_370 : i32 to index
      %get3A_372 = arith.index_cast %mul3A_275 : i32 to index
      %get3A_373 = tpu.vector_load %arg9[%get3A_371, %get3A_372] {strides = array<i32>} : memref<16x1024xf32, #tpu.memory_space<vmem>>, vector<1x16xf32>,
      %get3A_374 = vector.shape_cast %get3A_373 : vector<1x16xf32> to vector<16xf32>
      %mul3A_375 = arith.mulf %get3A_374, %get3A_278 : vector<16xf32>
      %add3A_376 = arith.addf %scan3A_271, %mul3A_375 : vector<16xf32>
      %get3A_377 = arith.constant 14 : i32
      %get3A_378 = arith.index_cast %get3A_377 : i32 to index
      %get3A_379 = arith.index_cast %mul3A_275 : i32 to index
      %get3A_380 = tpu.vector_load %arg9[%get3A_378, %get3A_379] {strides = array<i32>} : memref<16x1024xf32, #tpu.memory_space<vmem>>, vector<1x16xf32>,
      %get3A_381 = vector.shape_cast %get3A_380 : vector<1x16xf32> to vector<16xf32>
      %mul3A_382 = arith.mulf %get3A_381, %get3A_278 : vector<16xf32>
      %add3A_383 = arith.addf %scan3A_272, %mul3A_382 : vector<16xf32>
      %get3A_384 = arith.constant 15 : i32
      %get3A_385 = arith.index_cast %get3A_384 : i32 to index
      %get3A_386 = arith.index_cast %mul3A_275 : i32 to index
      %get3A_387 = tpu.vector_load %arg9[%get3A_385, %get3A_386] {strides = array<i32>} : memref<16x1024xf32, #tpu.memory_space<vmem>>, vector<1x16xf32>,
      %get3A_388 = vector.shape_cast %get3A_387 : vector<1x16xf32> to vector<16xf32>
      %mul3A_389 = arith.mulf %get3A_388, %get3A_278 : vector<16xf32>
      %add3A_390 = arith.addf %scan3A_273, %mul3A_389 : vector<16xf32>
      scf.yield %add3A_285, %add3A_292, %add3A_299, %add3A_306, %add3A_313, %add3A_320, %add3A_327, %add3A_334, %add3A_341, %add3A_348, %add3A_355, %add3A_362, %add3A_369, %add3A_376, %add3A_383, %add3A_390 : vector<16xf32>, vector<16xf32>, vector<16xf32>, vector<16xf32>, vector<16xf32>, vector<16xf32>, vector<16xf32>, vector<16xf32>, vector<16xf32>, vector<16xf32>, vector<16xf32>, vector<16xf32>, vector<16xf32>, vector<16xf32>, vector<16xf32>, vector<16xf32>
    }
    %scan3A_117 = arith.constant 64 : i32
    %dma_wait3A_118 = arith.constant 0 : i32
    %dma_wait3A_119 = arith.constant 0 : i32
    %dma_wait3A_120 = tpu.memref_slice %arg2[%dma_wait3A_118, %dma_wait3A_119] : memref<32768x1024xf32, #tpu.memory_space<hbm>> -> memref<32768x1024xf32, #tpu.memory_space<hbm>>
    tpu.wait_indirect_dma semaphore(%arg14 : memref<!tpu.dma_semaphore, #tpu.memory_space<semaphore_mem>>) src(%dma_wait3A_120 : memref<32768x1024xf32, #tpu.memory_space<hbm>>) dst(%arg10 : memref<16x1024xf32, #tpu.memory_space<vmem>>)
    %scan3A_121 = arith.constant 0 : i32
    %scan3A_122 = arith.constant 64 : i32
    %scan3A_123 = arith.addi %scan3A_121, %scan3A_122 : i32
    %scan3A_124 = arith.constant 1 : i32
    %scan3A_125:9 = scf.for %scan3A_257 = %scan3A_121 to %scan3A_123 step %scan3A_124 iter_args(%scan3A_258 = %broadcast_in_dim3A_109, %scan3A_259 = %broadcast_in_dim3A_109, %scan3A_260 = %broadcast_in_dim3A_109, %scan3A_261 = %broadcast_in_dim3A_109, %scan3A_262 = %broadcast_in_dim3A_109, %scan3A_263 = %broadcast_in_dim3A_109, %scan3A_264 = %broadcast_in_dim3A_109, %scan3A_265 = %broadcast_in_dim3A_109, %scan3A_266 = %broadcast_in_dim3A_109) -> (vector<16xf32>, vector<16xf32>, vector<16xf32>, vector<16xf32>, vector<16xf32>, vector<16xf32>, vector<16xf32>, vector<16xf32>, vector<16xf32>)  : i32 {
      %mul3A_267 = arith.constant 16 : i32
      %mul3A_268 = arith.muli %scan3A_257, %mul3A_267 : i32
      %get3A_269 = arith.index_cast %mul3A_268 : i32 to index
      %get3A_270 = tpu.vector_load %arg11[%get3A_269] {strides = array<i32>} : memref<1024xf32, #tpu.memory_space<vmem>>, vector<16xf32>,
      %get3A_271 = vector.shape_cast %get3A_270 : vector<16xf32> to vector<16xf32>
      %get3A_272 = arith.constant 0 : i32
      %get3A_273 = arith.index_cast %get3A_272 : i32 to index
      %get3A_274 = arith.index_cast %mul3A_268 : i32 to index
      %get3A_275 = tpu.vector_load %arg10[%get3A_273, %get3A_274] {strides = array<i32>} : memref<16x1024xf32, #tpu.memory_space<vmem>>, vector<1x16xf32>,
      %get3A_276 = vector.shape_cast %get3A_275 : vector<1x16xf32> to vector<16xf32>
      %mul3A_277 = arith.mulf %get3A_276, %get3A_271 : vector<16xf32>
      %add3A_278 = arith.addf %scan3A_258, %mul3A_277 : vector<16xf32>
      %get3A_279 = arith.constant 1 : i32
      %get3A_280 = arith.index_cast %get3A_279 : i32 to index
      %get3A_281 = arith.index_cast %mul3A_268 : i32 to index
      %get3A_282 = tpu.vector_load %arg10[%get3A_280, %get3A_281] {strides = array<i32>} : memref<16x1024xf32, #tpu.memory_space<vmem>>, vector<1x16xf32>,
      %get3A_283 = vector.shape_cast %get3A_282 : vector<1x16xf32> to vector<16xf32>
      %mul3A_284 = arith.mulf %get3A_283, %get3A_271 : vector<16xf32>
      %add3A_285 = arith.addf %scan3A_259, %mul3A_284 : vector<16xf32>
      %get3A_286 = arith.constant 2 : i32
      %get3A_287 = arith.index_cast %get3A_286 : i32 to index
      %get3A_288 = arith.index_cast %mul3A_268 : i32 to index
      %get3A_289 = tpu.vector_load %arg10[%get3A_287, %get3A_288] {strides = array<i32>} : memref<16x1024xf32, #tpu.memory_space<vmem>>, vector<1x16xf32>,
      %get3A_290 = vector.shape_cast %get3A_289 : vector<1x16xf32> to vector<16xf32>
      %mul3A_291 = arith.mulf %get3A_290, %get3A_271 : vector<16xf32>
      %add3A_292 = arith.addf %scan3A_260, %mul3A_291 : vector<16xf32>
      %get3A_293 = arith.constant 3 : i32
      %get3A_294 = arith.index_cast %get3A_293 : i32 to index
      %get3A_295 = arith.index_cast %mul3A_268 : i32 to index
      %get3A_296 = tpu.vector_load %arg10[%get3A_294, %get3A_295] {strides = array<i32>} : memref<16x1024xf32, #tpu.memory_space<vmem>>, vector<1x16xf32>,
      %get3A_297 = vector.shape_cast %get3A_296 : vector<1x16xf32> to vector<16xf32>
      %mul3A_298 = arith.mulf %get3A_297, %get3A_271 : vector<16xf32>
      %add3A_299 = arith.addf %scan3A_261, %mul3A_298 : vector<16xf32>
      %get3A_300 = arith.constant 4 : i32
      %get3A_301 = arith.index_cast %get3A_300 : i32 to index
      %get3A_302 = arith.index_cast %mul3A_268 : i32 to index
      %get3A_303 = tpu.vector_load %arg10[%get3A_301, %get3A_302] {strides = array<i32>} : memref<16x1024xf32, #tpu.memory_space<vmem>>, vector<1x16xf32>,
      %get3A_304 = vector.shape_cast %get3A_303 : vector<1x16xf32> to vector<16xf32>
      %mul3A_305 = arith.mulf %get3A_304, %get3A_271 : vector<16xf32>
      %add3A_306 = arith.addf %scan3A_262, %mul3A_305 : vector<16xf32>
      %get3A_307 = arith.constant 5 : i32
      %get3A_308 = arith.index_cast %get3A_307 : i32 to index
      %get3A_309 = arith.index_cast %mul3A_268 : i32 to index
      %get3A_310 = tpu.vector_load %arg10[%get3A_308, %get3A_309] {strides = array<i32>} : memref<16x1024xf32, #tpu.memory_space<vmem>>, vector<1x16xf32>,
      %get3A_311 = vector.shape_cast %get3A_310 : vector<1x16xf32> to vector<16xf32>
      %mul3A_312 = arith.mulf %get3A_311, %get3A_271 : vector<16xf32>
      %add3A_313 = arith.addf %scan3A_263, %mul3A_312 : vector<16xf32>
      %get3A_314 = arith.constant 6 : i32
      %get3A_315 = arith.index_cast %get3A_314 : i32 to index
      %get3A_316 = arith.index_cast %mul3A_268 : i32 to index
      %get3A_317 = tpu.vector_load %arg10[%get3A_315, %get3A_316] {strides = array<i32>} : memref<16x1024xf32, #tpu.memory_space<vmem>>, vector<1x16xf32>,
      %get3A_318 = vector.shape_cast %get3A_317 : vector<1x16xf32> to vector<16xf32>
      %mul3A_319 = arith.mulf %get3A_318, %get3A_271 : vector<16xf32>
      %add3A_320 = arith.addf %scan3A_264, %mul3A_319 : vector<16xf32>
      %get3A_321 = arith.constant 7 : i32
      %get3A_322 = arith.index_cast %get3A_321 : i32 to index
      %get3A_323 = arith.index_cast %mul3A_268 : i32 to index
      %get3A_324 = tpu.vector_load %arg10[%get3A_322, %get3A_323] {strides = array<i32>} : memref<16x1024xf32, #tpu.memory_space<vmem>>, vector<1x16xf32>,
      %get3A_325 = vector.shape_cast %get3A_324 : vector<1x16xf32> to vector<16xf32>
      %mul3A_326 = arith.mulf %get3A_325, %get3A_271 : vector<16xf32>
      %add3A_327 = arith.addf %scan3A_265, %mul3A_326 : vector<16xf32>
      %get3A_328 = arith.constant 8 : i32
      %get3A_329 = arith.index_cast %get3A_328 : i32 to index
      %get3A_330 = arith.index_cast %mul3A_268 : i32 to index
      %get3A_331 = tpu.vector_load %arg10[%get3A_329, %get3A_330] {strides = array<i32>} : memref<16x1024xf32, #tpu.memory_space<vmem>>, vector<1x16xf32>,
      %get3A_332 = vector.shape_cast %get3A_331 : vector<1x16xf32> to vector<16xf32>
      %mul3A_333 = arith.mulf %get3A_332, %get3A_271 : vector<16xf32>
      %add3A_334 = arith.addf %scan3A_266, %mul3A_333 : vector<16xf32>
      scf.yield %add3A_278, %add3A_285, %add3A_292, %add3A_299, %add3A_306, %add3A_313, %add3A_320, %add3A_327, %add3A_334 : vector<16xf32>, vector<16xf32>, vector<16xf32>, vector<16xf32>, vector<16xf32>, vector<16xf32>, vector<16xf32>, vector<16xf32>, vector<16xf32>
    }
    %scan3A_126 = arith.constant 64 : i32
    %swap3A_127 = arith.constant 0 : index
    %swap3A_128 = tpu.vector_load %arg12[%swap3A_127] {strides = array<i32>} : memref<512xf32, #tpu.memory_space<vmem>>, vector<16xf32>,
    %swap3A_129 = vector.shape_cast %swap3A_128 : vector<16xf32> to vector<16xf32>
    %swap3A_130 = vector.shape_cast %scan3A_116#0 : vector<16xf32> to vector<16xf32>
    tpu.vector_store %arg12[%swap3A_127], %swap3A_130 {strides = array<i32>} : memref<512xf32, #tpu.memory_space<vmem>>, vector<16xf32>,
    %swap3A_131 = arith.constant 16 : index
    %swap3A_132 = tpu.vector_load %arg12[%swap3A_131] {strides = array<i32>} : memref<512xf32, #tpu.memory_space<vmem>>, vector<16xf32>,
    %swap3A_133 = vector.shape_cast %swap3A_132 : vector<16xf32> to vector<16xf32>
    %swap3A_134 = vector.shape_cast %scan3A_116#1 : vector<16xf32> to vector<16xf32>
    tpu.vector_store %arg12[%swap3A_131], %swap3A_134 {strides = array<i32>} : memref<512xf32, #tpu.memory_space<vmem>>, vector<16xf32>,
    %swap3A_135 = arith.constant 32 : index
    %swap3A_136 = tpu.vector_load %arg12[%swap3A_135] {strides = array<i32>} : memref<512xf32, #tpu.memory_space<vmem>>, vector<16xf32>,
    %swap3A_137 = vector.shape_cast %swap3A_136 : vector<16xf32> to vector<16xf32>
    %swap3A_138 = vector.shape_cast %scan3A_116#2 : vector<16xf32> to vector<16xf32>
    tpu.vector_store %arg12[%swap3A_135], %swap3A_138 {strides = array<i32>} : memref<512xf32, #tpu.memory_space<vmem>>, vector<16xf32>,
    %swap3A_139 = arith.constant 48 : index
    %swap3A_140 = tpu.vector_load %arg12[%swap3A_139] {strides = array<i32>} : memref<512xf32, #tpu.memory_space<vmem>>, vector<16xf32>,
    %swap3A_141 = vector.shape_cast %swap3A_140 : vector<16xf32> to vector<16xf32>
    %swap3A_142 = vector.shape_cast %scan3A_116#3 : vector<16xf32> to vector<16xf32>
    tpu.vector_store %arg12[%swap3A_139], %swap3A_142 {strides = array<i32>} : memref<512xf32, #tpu.memory_space<vmem>>, vector<16xf32>,
    %swap3A_143 = arith.constant 64 : index
    %swap3A_144 = tpu.vector_load %arg12[%swap3A_143] {strides = array<i32>} : memref<512xf32, #tpu.memory_space<vmem>>, vector<16xf32>,
    %swap3A_145 = vector.shape_cast %swap3A_144 : vector<16xf32> to vector<16xf32>
    %swap3A_146 = vector.shape_cast %scan3A_116#4 : vector<16xf32> to vector<16xf32>
    tpu.vector_store %arg12[%swap3A_143], %swap3A_146 {strides = array<i32>} : memref<512xf32, #tpu.memory_space<vmem>>, vector<16xf32>,
    %swap3A_147 = arith.constant 80 : index
    %swap3A_148 = tpu.vector_load %arg12[%swap3A_147] {strides = array<i32>} : memref<512xf32, #tpu.memory_space<vmem>>, vector<16xf32>,
    %swap3A_149 = vector.shape_cast %swap3A_148 : vector<16xf32> to vector<16xf32>
    %swap3A_150 = vector.shape_cast %scan3A_116#5 : vector<16xf32> to vector<16xf32>
    tpu.vector_store %arg12[%swap3A_147], %swap3A_150 {strides = array<i32>} : memref<512xf32, #tpu.memory_space<vmem>>, vector<16xf32>,
    %swap3A_151 = arith.constant 96 : index
    %swap3A_152 = tpu.vector_load %arg12[%swap3A_151] {strides = array<i32>} : memref<512xf32, #tpu.memory_space<vmem>>, vector<16xf32>,
    %swap3A_153 = vector.shape_cast %swap3A_152 : vector<16xf32> to vector<16xf32>
    %swap3A_154 = vector.shape_cast %scan3A_116#6 : vector<16xf32> to vector<16xf32>
    tpu.vector_store %arg12[%swap3A_151], %swap3A_154 {strides = array<i32>} : memref<512xf32, #tpu.memory_space<vmem>>, vector<16xf32>,
    %swap3A_155 = arith.constant 112 : index
    %swap3A_156 = tpu.vector_load %arg12[%swap3A_155] {strides = array<i32>} : memref<512xf32, #tpu.memory_space<vmem>>, vector<16xf32>,
    %swap3A_157 = vector.shape_cast %swap3A_156 : vector<16xf32> to vector<16xf32>
    %swap3A_158 = vector.shape_cast %scan3A_116#7 : vector<16xf32> to vector<16xf32>
    tpu.vector_store %arg12[%swap3A_155], %swap3A_158 {strides = array<i32>} : memref<512xf32, #tpu.memory_space<vmem>>, vector<16xf32>,
    %swap3A_159 = arith.constant 128 : index
    %swap3A_160 = tpu.vector_load %arg12[%swap3A_159] {strides = array<i32>} : memref<512xf32, #tpu.memory_space<vmem>>, vector<16xf32>,
    %swap3A_161 = vector.shape_cast %swap3A_160 : vector<16xf32> to vector<16xf32>
    %swap3A_162 = vector.shape_cast %scan3A_116#8 : vector<16xf32> to vector<16xf32>
    tpu.vector_store %arg12[%swap3A_159], %swap3A_162 {strides = array<i32>} : memref<512xf32, #tpu.memory_space<vmem>>, vector<16xf32>,
    %swap3A_163 = arith.constant 144 : index
    %swap3A_164 = tpu.vector_load %arg12[%swap3A_163] {strides = array<i32>} : memref<512xf32, #tpu.memory_space<vmem>>, vector<16xf32>,
    %swap3A_165 = vector.shape_cast %swap3A_164 : vector<16xf32> to vector<16xf32>
    %swap3A_166 = vector.shape_cast %scan3A_116#9 : vector<16xf32> to vector<16xf32>
    tpu.vector_store %arg12[%swap3A_163], %swap3A_166 {strides = array<i32>} : memref<512xf32, #tpu.memory_space<vmem>>, vector<16xf32>,
    %swap3A_167 = arith.constant 160 : index
    %swap3A_168 = tpu.vector_load %arg12[%swap3A_167] {strides = array<i32>} : memref<512xf32, #tpu.memory_space<vmem>>, vector<16xf32>,
    %swap3A_169 = vector.shape_cast %swap3A_168 : vector<16xf32> to vector<16xf32>
    %swap3A_170 = vector.shape_cast %scan3A_116#10 : vector<16xf32> to vector<16xf32>
    tpu.vector_store %arg12[%swap3A_167], %swap3A_170 {strides = array<i32>} : memref<512xf32, #tpu.memory_space<vmem>>, vector<16xf32>,
    %swap3A_171 = arith.constant 176 : index
    %swap3A_172 = tpu.vector_load %arg12[%swap3A_171] {strides = array<i32>} : memref<512xf32, #tpu.memory_space<vmem>>, vector<16xf32>,
    %swap3A_173 = vector.shape_cast %swap3A_172 : vector<16xf32> to vector<16xf32>
    %swap3A_174 = vector.shape_cast %scan3A_116#11 : vector<16xf32> to vector<16xf32>
    tpu.vector_store %arg12[%swap3A_171], %swap3A_174 {strides = array<i32>} : memref<512xf32, #tpu.memory_space<vmem>>, vector<16xf32>,
    %swap3A_175 = arith.constant 192 : index
    %swap3A_176 = tpu.vector_load %arg12[%swap3A_175] {strides = array<i32>} : memref<512xf32, #tpu.memory_space<vmem>>, vector<16xf32>,
    %swap3A_177 = vector.shape_cast %swap3A_176 : vector<16xf32> to vector<16xf32>
    %swap3A_178 = vector.shape_cast %scan3A_116#12 : vector<16xf32> to vector<16xf32>
    tpu.vector_store %arg12[%swap3A_175], %swap3A_178 {strides = array<i32>} : memref<512xf32, #tpu.memory_space<vmem>>, vector<16xf32>,
    %swap3A_179 = arith.constant 208 : index
    %swap3A_180 = tpu.vector_load %arg12[%swap3A_179] {strides = array<i32>} : memref<512xf32, #tpu.memory_space<vmem>>, vector<16xf32>,
    %swap3A_181 = vector.shape_cast %swap3A_180 : vector<16xf32> to vector<16xf32>
    %swap3A_182 = vector.shape_cast %scan3A_116#13 : vector<16xf32> to vector<16xf32>
    tpu.vector_store %arg12[%swap3A_179], %swap3A_182 {strides = array<i32>} : memref<512xf32, #tpu.memory_space<vmem>>, vector<16xf32>,
    %swap3A_183 = arith.constant 224 : index
    %swap3A_184 = tpu.vector_load %arg12[%swap3A_183] {strides = array<i32>} : memref<512xf32, #tpu.memory_space<vmem>>, vector<16xf32>,
    %swap3A_185 = vector.shape_cast %swap3A_184 : vector<16xf32> to vector<16xf32>
    %swap3A_186 = vector.shape_cast %scan3A_116#14 : vector<16xf32> to vector<16xf32>
    tpu.vector_store %arg12[%swap3A_183], %swap3A_186 {strides = array<i32>} : memref<512xf32, #tpu.memory_space<vmem>>, vector<16xf32>,
    %swap3A_187 = arith.constant 240 : index
    %swap3A_188 = tpu.vector_load %arg12[%swap3A_187] {strides = array<i32>} : memref<512xf32, #tpu.memory_space<vmem>>, vector<16xf32>,
    %swap3A_189 = vector.shape_cast %swap3A_188 : vector<16xf32> to vector<16xf32>
    %swap3A_190 = vector.shape_cast %scan3A_116#15 : vector<16xf32> to vector<16xf32>
    tpu.vector_store %arg12[%swap3A_187], %swap3A_190 {strides = array<i32>} : memref<512xf32, #tpu.memory_space<vmem>>, vector<16xf32>,
    %swap3A_191 = arith.constant 256 : index
    %swap3A_192 = tpu.vector_load %arg12[%swap3A_191] {strides = array<i32>} : memref<512xf32, #tpu.memory_space<vmem>>, vector<16xf32>,
    %swap3A_193 = vector.shape_cast %swap3A_192 : vector<16xf32> to vector<16xf32>
    %swap3A_194 = vector.shape_cast %scan3A_125#0 : vector<16xf32> to vector<16xf32>
    tpu.vector_store %arg12[%swap3A_191], %swap3A_194 {strides = array<i32>} : memref<512xf32, #tpu.memory_space<vmem>>, vector<16xf32>,
    %swap3A_195 = arith.constant 272 : index
    %swap3A_196 = tpu.vector_load %arg12[%swap3A_195] {strides = array<i32>} : memref<512xf32, #tpu.memory_space<vmem>>, vector<16xf32>,
    %swap3A_197 = vector.shape_cast %swap3A_196 : vector<16xf32> to vector<16xf32>
    %swap3A_198 = vector.shape_cast %scan3A_125#1 : vector<16xf32> to vector<16xf32>
    tpu.vector_store %arg12[%swap3A_195], %swap3A_198 {strides = array<i32>} : memref<512xf32, #tpu.memory_space<vmem>>, vector<16xf32>,
    %swap3A_199 = arith.constant 288 : index
    %swap3A_200 = tpu.vector_load %arg12[%swap3A_199] {strides = array<i32>} : memref<512xf32, #tpu.memory_space<vmem>>, vector<16xf32>,
    %swap3A_201 = vector.shape_cast %swap3A_200 : vector<16xf32> to vector<16xf32>
    %swap3A_202 = vector.shape_cast %scan3A_125#2 : vector<16xf32> to vector<16xf32>
    tpu.vector_store %arg12[%swap3A_199], %swap3A_202 {strides = array<i32>} : memref<512xf32, #tpu.memory_space<vmem>>, vector<16xf32>,
    %swap3A_203 = arith.constant 304 : index
    %swap3A_204 = tpu.vector_load %arg12[%swap3A_203] {strides = array<i32>} : memref<512xf32, #tpu.memory_space<vmem>>, vector<16xf32>,
    %swap3A_205 = vector.shape_cast %swap3A_204 : vector<16xf32> to vector<16xf32>
    %swap3A_206 = vector.shape_cast %scan3A_125#3 : vector<16xf32> to vector<16xf32>
    tpu.vector_store %arg12[%swap3A_203], %swap3A_206 {strides = array<i32>} : memref<512xf32, #tpu.memory_space<vmem>>, vector<16xf32>,
    %swap3A_207 = arith.constant 320 : index
    %swap3A_208 = tpu.vector_load %arg12[%swap3A_207] {strides = array<i32>} : memref<512xf32, #tpu.memory_space<vmem>>, vector<16xf32>,
    %swap3A_209 = vector.shape_cast %swap3A_208 : vector<16xf32> to vector<16xf32>
    %swap3A_210 = vector.shape_cast %scan3A_125#4 : vector<16xf32> to vector<16xf32>
    tpu.vector_store %arg12[%swap3A_207], %swap3A_210 {strides = array<i32>} : memref<512xf32, #tpu.memory_space<vmem>>, vector<16xf32>,
    %swap3A_211 = arith.constant 336 : index
    %swap3A_212 = tpu.vector_load %arg12[%swap3A_211] {strides = array<i32>} : memref<512xf32, #tpu.memory_space<vmem>>, vector<16xf32>,
    %swap3A_213 = vector.shape_cast %swap3A_212 : vector<16xf32> to vector<16xf32>
    %swap3A_214 = vector.shape_cast %scan3A_125#5 : vector<16xf32> to vector<16xf32>
    tpu.vector_store %arg12[%swap3A_211], %swap3A_214 {strides = array<i32>} : memref<512xf32, #tpu.memory_space<vmem>>, vector<16xf32>,
    %swap3A_215 = arith.constant 352 : index
    %swap3A_216 = tpu.vector_load %arg12[%swap3A_215] {strides = array<i32>} : memref<512xf32, #tpu.memory_space<vmem>>, vector<16xf32>,
    %swap3A_217 = vector.shape_cast %swap3A_216 : vector<16xf32> to vector<16xf32>
    %swap3A_218 = vector.shape_cast %scan3A_125#6 : vector<16xf32> to vector<16xf32>
    tpu.vector_store %arg12[%swap3A_215], %swap3A_218 {strides = array<i32>} : memref<512xf32, #tpu.memory_space<vmem>>, vector<16xf32>,
    %swap3A_219 = arith.constant 368 : index
    %swap3A_220 = tpu.vector_load %arg12[%swap3A_219] {strides = array<i32>} : memref<512xf32, #tpu.memory_space<vmem>>, vector<16xf32>,
    %swap3A_221 = vector.shape_cast %swap3A_220 : vector<16xf32> to vector<16xf32>
    %swap3A_222 = vector.shape_cast %scan3A_125#7 : vector<16xf32> to vector<16xf32>
    tpu.vector_store %arg12[%swap3A_219], %swap3A_222 {strides = array<i32>} : memref<512xf32, #tpu.memory_space<vmem>>, vector<16xf32>,
    %swap3A_223 = arith.constant 384 : index
    %swap3A_224 = tpu.vector_load %arg12[%swap3A_223] {strides = array<i32>} : memref<512xf32, #tpu.memory_space<vmem>>, vector<16xf32>,
    %swap3A_225 = vector.shape_cast %swap3A_224 : vector<16xf32> to vector<16xf32>
    %swap3A_226 = vector.shape_cast %scan3A_125#8 : vector<16xf32> to vector<16xf32>
    tpu.vector_store %arg12[%swap3A_223], %swap3A_226 {strides = array<i32>} : memref<512xf32, #tpu.memory_space<vmem>>, vector<16xf32>,
    %swap3A_227 = arith.constant 400 : index
    %swap3A_228 = tpu.vector_load %arg12[%swap3A_227] {strides = array<i32>} : memref<512xf32, #tpu.memory_space<vmem>>, vector<16xf32>,
    %swap3A_229 = vector.shape_cast %swap3A_228 : vector<16xf32> to vector<16xf32>
    %swap3A_230 = vector.shape_cast %broadcast_in_dim3A_109 : vector<16xf32> to vector<16xf32>
    tpu.vector_store %arg12[%swap3A_227], %swap3A_230 {strides = array<i32>} : memref<512xf32, #tpu.memory_space<vmem>>, vector<16xf32>,
    %swap3A_231 = arith.constant 416 : index
    %swap3A_232 = tpu.vector_load %arg12[%swap3A_231] {strides = array<i32>} : memref<512xf32, #tpu.memory_space<vmem>>, vector<16xf32>,
    %swap3A_233 = vector.shape_cast %swap3A_232 : vector<16xf32> to vector<16xf32>
    %swap3A_234 = vector.shape_cast %broadcast_in_dim3A_109 : vector<16xf32> to vector<16xf32>
    tpu.vector_store %arg12[%swap3A_231], %swap3A_234 {strides = array<i32>} : memref<512xf32, #tpu.memory_space<vmem>>, vector<16xf32>,
    %swap3A_235 = arith.constant 432 : index
    %swap3A_236 = tpu.vector_load %arg12[%swap3A_235] {strides = array<i32>} : memref<512xf32, #tpu.memory_space<vmem>>, vector<16xf32>,
    %swap3A_237 = vector.shape_cast %swap3A_236 : vector<16xf32> to vector<16xf32>
    %swap3A_238 = vector.shape_cast %broadcast_in_dim3A_109 : vector<16xf32> to vector<16xf32>
    tpu.vector_store %arg12[%swap3A_235], %swap3A_238 {strides = array<i32>} : memref<512xf32, #tpu.memory_space<vmem>>, vector<16xf32>,
    %swap3A_239 = arith.constant 448 : index
    %swap3A_240 = tpu.vector_load %arg12[%swap3A_239] {strides = array<i32>} : memref<512xf32, #tpu.memory_space<vmem>>, vector<16xf32>,
    %swap3A_241 = vector.shape_cast %swap3A_240 : vector<16xf32> to vector<16xf32>
    %swap3A_242 = vector.shape_cast %broadcast_in_dim3A_109 : vector<16xf32> to vector<16xf32>
    tpu.vector_store %arg12[%swap3A_239], %swap3A_242 {strides = array<i32>} : memref<512xf32, #tpu.memory_space<vmem>>, vector<16xf32>,
    %swap3A_243 = arith.constant 464 : index
    %swap3A_244 = tpu.vector_load %arg12[%swap3A_243] {strides = array<i32>} : memref<512xf32, #tpu.memory_space<vmem>>, vector<16xf32>,
    %swap3A_245 = vector.shape_cast %swap3A_244 : vector<16xf32> to vector<16xf32>
    %swap3A_246 = vector.shape_cast %broadcast_in_dim3A_109 : vector<16xf32> to vector<16xf32>
    tpu.vector_store %arg12[%swap3A_243], %swap3A_246 {strides = array<i32>} : memref<512xf32, #tpu.memory_space<vmem>>, vector<16xf32>,
    %swap3A_247 = arith.constant 480 : index
    %swap3A_248 = tpu.vector_load %arg12[%swap3A_247] {strides = array<i32>} : memref<512xf32, #tpu.memory_space<vmem>>, vector<16xf32>,
    %swap3A_249 = vector.shape_cast %swap3A_248 : vector<16xf32> to vector<16xf32>
    %swap3A_250 = vector.shape_cast %broadcast_in_dim3A_109 : vector<16xf32> to vector<16xf32>
    tpu.vector_store %arg12[%swap3A_247], %swap3A_250 {strides = array<i32>} : memref<512xf32, #tpu.memory_space<vmem>>, vector<16xf32>,
    %swap3A_251 = arith.constant 496 : index
    %swap3A_252 = tpu.vector_load %arg12[%swap3A_251] {strides = array<i32>} : memref<512xf32, #tpu.memory_space<vmem>>, vector<16xf32>,
    %swap3A_253 = vector.shape_cast %swap3A_252 : vector<16xf32> to vector<16xf32>
    %swap3A_254 = vector.shape_cast %broadcast_in_dim3A_109 : vector<16xf32> to vector<16xf32>
    tpu.vector_store %arg12[%swap3A_251], %swap3A_254 {strides = array<i32>} : memref<512xf32, #tpu.memory_space<vmem>>, vector<16xf32>,
    %mul3A_255 = arith.constant 512 : i32
    %mul3A_256 = arith.muli %select_n3A_30, %mul3A_255 : i32
    "tpu.region"() ({
      %run_scoped3A = tpu.sem_alloc : memref<!tpu.dma_semaphore, #tpu.memory_space<semaphore_mem>>
      %dma_start3A_257 = tpu.memref_slice %arg5[%select_n3A, %mul3A_256] : memref<16x1024xf32, #tpu.memory_space<hbm>> -> memref<1x512xf32, #tpu.memory_space<hbm>>
      %dma_start3A_258 = tpu.memref_squeeze %dma_start3A_257 : memref<1x512xf32, #tpu.memory_space<hbm>> -> memref<512xf32, #tpu.memory_space<hbm>>
      %dma_start3A_259 = tpu.memref_slice %arg5[%select_n3A, %mul3A_256] : memref<16x1024xf32, #tpu.memory_space<hbm>> -> memref<1x512xf32, #tpu.memory_space<hbm>>
      %dma_start3A_260 = tpu.memref_squeeze %dma_start3A_259 : memref<1x512xf32, #tpu.memory_space<hbm>> -> memref<512xf32, #tpu.memory_space<hbm>>
      tpu.enqueue_dma source(%arg12 : memref<512xf32, #tpu.memory_space<vmem>>) target(%dma_start3A_260 : memref<512xf32, #tpu.memory_space<hbm>>) target_semaphore(%run_scoped3A : memref<!tpu.dma_semaphore, #tpu.memory_space<semaphore_mem>>)
      %dma_wait3A_261 = tpu.memref_slice %arg5[%select_n3A, %mul3A_256] : memref<16x1024xf32, #tpu.memory_space<hbm>> -> memref<1x512xf32, #tpu.memory_space<hbm>>
      %dma_wait3A_262 = tpu.memref_squeeze %dma_wait3A_261 : memref<1x512xf32, #tpu.memory_space<hbm>> -> memref<512xf32, #tpu.memory_space<hbm>>
      %dma_wait3A_263 = tpu.memref_slice %arg5[%select_n3A, %mul3A_256] : memref<16x1024xf32, #tpu.memory_space<hbm>> -> memref<1x512xf32, #tpu.memory_space<hbm>>
      %dma_wait3A_264 = tpu.memref_squeeze %dma_wait3A_263 : memref<1x512xf32, #tpu.memory_space<hbm>> -> memref<512xf32, #tpu.memory_space<hbm>>
      tpu.wait_dma2 semaphore(%run_scoped3A : memref<!tpu.dma_semaphore, #tpu.memory_space<semaphore_mem>>) src(%arg12 : memref<512xf32, #tpu.memory_space<vmem>>) dst(%dma_wait3A_264 : memref<512xf32, #tpu.memory_space<hbm>>)
      tpu.yield
    }) : () -> ()
    return
  }
}

module attributes {stable_mosaic.version = 14 : i64} {
  func.func @_loss_body(%arg0: memref<16x1024xf32, #tpu.memory_space<vmem>>, %arg1: memref<1x1xf32, #tpu.memory_space<smem>>) attributes {dimension_semantics = [], scalar_prefetch = 0 : i64, scratch_operands = 0 : i64, tpu.core_type = #tpu.core_type<tc>} {
    %get3A = arith.constant 0 : index
    %get3A_0 = arith.constant 0 : index
    %get3A_1 = vector.load %arg0[%get3A, %get3A_0] : memref<16x1024xf32, #tpu.memory_space<vmem>>, vector<16x1024xf32>
    %iota3A = tpu.iota {dimensions = array<i32: 0>} : vector<1024x50xi32>
    %iota3A_2 = tpu.iota {dimensions = array<i32: 1>} : vector<1024x50xi32>
    %jit3A = arith.constant 512 : i32
    %eq3A = arith.constant 0 : i32
    %eq3A_3 = arith.cmpi eq, %jit3A, %eq3A : i32
    %jit3A_4 = arith.constant 1 : i32
    %select_n3A = arith.select %eq3A_3, %jit3A_4, %jit3A : i32
    %rem3A = vector.broadcast %select_n3A : i32 to vector<1024x50xi32>
    %rem3A_5 = arith.remsi %iota3A, %rem3A : vector<1024x50xi32>
    %ne3A = arith.constant 0 : i32
    %ne3A_6 = vector.broadcast %ne3A : i32 to vector<1024x50xi32>
    %ne3A_7 = arith.cmpi ne, %rem3A_5, %ne3A_6 : vector<1024x50xi32>
    %lt3A = arith.constant 0 : i32
    %lt3A_8 = vector.broadcast %lt3A : i32 to vector<1024x50xi32>
    %lt3A_9 = arith.cmpi slt, %rem3A_5, %lt3A_8 : vector<1024x50xi32>
    %lt3A_10 = arith.constant 0 : i32
    %lt3A_11 = arith.cmpi slt, %select_n3A, %lt3A_10 : i32
    %ne3A_12 = vector.broadcast %lt3A_11 : i1 to vector<1024x50xi1>
    %ne3A_13 = vector.broadcast %ne3A_12 : vector<1024x50xi1> to vector<1024x50xi1>
    %ne3A_14 = arith.xori %lt3A_9, %ne3A_13 : vector<1024x50xi1>
    %and3A = arith.andi %ne3A_14, %ne3A_7 : vector<1024x50xi1>
    %add3A = vector.broadcast %select_n3A : i32 to vector<1024x50xi32>
    %add3A_15 = arith.addi %rem3A_5, %add3A : vector<1024x50xi32>
    %select_n3A_16 = arith.select %and3A, %add3A_15, %rem3A_5 : vector<1024x50xi1>, vector<1024x50xi32>
    %jit3A_17 = arith.constant 16 : i32
    %div3A = vector.broadcast %jit3A_17 : i32 to vector<1024x50xi32>
    %div3A_18 = arith.divsi %select_n3A_16, %div3A : vector<1024x50xi32>
    %sign3A = arith.constant 0 : i32
    %sign3A_19 = vector.broadcast %sign3A : i32 to vector<1024x50xi32>
    %sign3A_20 = arith.cmpi sgt, %select_n3A_16, %sign3A_19 : vector<1024x50xi32>
    %sign3A_21 = arith.extui %sign3A_20 : vector<1024x50xi1> to vector<1024x50xi32>
    %sign3A_22 = arith.constant 0 : i32
    %sign3A_23 = vector.broadcast %sign3A_22 : i32 to vector<1024x50xi32>
    %sign3A_24 = arith.cmpi slt, %select_n3A_16, %sign3A_23 : vector<1024x50xi32>
    %sign3A_25 = arith.extui %sign3A_24 : vector<1024x50xi1> to vector<1024x50xi32>
    %sign3A_26 = arith.subi %sign3A_21, %sign3A_25 : vector<1024x50xi32>
    %sign3A_27 = arith.constant 0 : i32
    %sign3A_28 = arith.cmpi sgt, %jit3A_17, %sign3A_27 : i32
    %sign3A_29 = arith.extui %sign3A_28 : i1 to i32
    %sign3A_30 = arith.constant 0 : i32
    %sign3A_31 = arith.cmpi slt, %jit3A_17, %sign3A_30 : i32
    %sign3A_32 = arith.extui %sign3A_31 : i1 to i32
    %sign3A_33 = arith.subi %sign3A_29, %sign3A_32 : i32
    %ne3A_34 = vector.broadcast %sign3A_33 : i32 to vector<1024x50xi32>
    %ne3A_35 = arith.cmpi ne, %sign3A_26, %ne3A_34 : vector<1024x50xi32>
    %rem3A_36 = vector.broadcast %jit3A_17 : i32 to vector<1024x50xi32>
    %rem3A_37 = arith.remsi %select_n3A_16, %rem3A_36 : vector<1024x50xi32>
    %ne3A_38 = arith.constant 0 : i32
    %ne3A_39 = vector.broadcast %ne3A_38 : i32 to vector<1024x50xi32>
    %ne3A_40 = arith.cmpi ne, %rem3A_37, %ne3A_39 : vector<1024x50xi32>
    %and3A_41 = arith.andi %ne3A_35, %ne3A_40 : vector<1024x50xi1>
    %sub3A = arith.constant 1 : i32
    %sub3A_42 = vector.broadcast %sub3A : i32 to vector<1024x50xi32>
    %sub3A_43 = arith.subi %div3A_18, %sub3A_42 : vector<1024x50xi32>
    %select_n3A_44 = arith.select %and3A_41, %sub3A_43, %div3A_18 : vector<1024x50xi1>, vector<1024x50xi32>
    %jit3A_45 = arith.constant 512 : i32
    %div3A_46 = vector.broadcast %jit3A_45 : i32 to vector<1024x50xi32>
    %div3A_47 = arith.divsi %iota3A, %div3A_46 : vector<1024x50xi32>
    %sign3A_48 = arith.constant 0 : i32
    %sign3A_49 = vector.broadcast %sign3A_48 : i32 to vector<1024x50xi32>
    %sign3A_50 = arith.cmpi sgt, %iota3A, %sign3A_49 : vector<1024x50xi32>
    %sign3A_51 = arith.extui %sign3A_50 : vector<1024x50xi1> to vector<1024x50xi32>
    %sign3A_52 = arith.constant 0 : i32
    %sign3A_53 = vector.broadcast %sign3A_52 : i32 to vector<1024x50xi32>
    %sign3A_54 = arith.cmpi slt, %iota3A, %sign3A_53 : vector<1024x50xi32>
    %sign3A_55 = arith.extui %sign3A_54 : vector<1024x50xi1> to vector<1024x50xi32>
    %sign3A_56 = arith.subi %sign3A_51, %sign3A_55 : vector<1024x50xi32>
    %sign3A_57 = arith.constant 0 : i32
    %sign3A_58 = arith.cmpi sgt, %jit3A_45, %sign3A_57 : i32
    %sign3A_59 = arith.extui %sign3A_58 : i1 to i32
    %sign3A_60 = arith.constant 0 : i32
    %sign3A_61 = arith.cmpi slt, %jit3A_45, %sign3A_60 : i32
    %sign3A_62 = arith.extui %sign3A_61 : i1 to i32
    %sign3A_63 = arith.subi %sign3A_59, %sign3A_62 : i32
    %ne3A_64 = vector.broadcast %sign3A_63 : i32 to vector<1024x50xi32>
    %ne3A_65 = arith.cmpi ne, %sign3A_56, %ne3A_64 : vector<1024x50xi32>
    %rem3A_66 = vector.broadcast %jit3A_45 : i32 to vector<1024x50xi32>
    %rem3A_67 = arith.remsi %iota3A, %rem3A_66 : vector<1024x50xi32>
    %ne3A_68 = arith.constant 0 : i32
    %ne3A_69 = vector.broadcast %ne3A_68 : i32 to vector<1024x50xi32>
    %ne3A_70 = arith.cmpi ne, %rem3A_67, %ne3A_69 : vector<1024x50xi32>
    %and3A_71 = arith.andi %ne3A_65, %ne3A_70 : vector<1024x50xi1>
    %sub3A_72 = arith.constant 1 : i32
    %sub3A_73 = vector.broadcast %sub3A_72 : i32 to vector<1024x50xi32>
    %sub3A_74 = arith.subi %div3A_47, %sub3A_73 : vector<1024x50xi32>
    %select_n3A_75 = arith.select %and3A_71, %sub3A_74, %div3A_47 : vector<1024x50xi1>, vector<1024x50xi32>
    %lt3A_76 = arith.constant 25 : i32
    %lt3A_77 = vector.broadcast %lt3A_76 : i32 to vector<1024x50xi32>
    %lt3A_78 = arith.cmpi slt, %select_n3A_44, %lt3A_77 : vector<1024x50xi32>
    %mul3A = arith.constant 25 : i32
    %mul3A_79 = vector.broadcast %mul3A : i32 to vector<1024x50xi32>
    %mul3A_80 = arith.muli %select_n3A_75, %mul3A_79 : vector<1024x50xi32>
    %add3A_81 = arith.addi %mul3A_80, %select_n3A_44 : vector<1024x50xi32>
    %eq3A_82 = arith.cmpi eq, %add3A_81, %iota3A_2 : vector<1024x50xi32>
    %and3A_83 = arith.andi %lt3A_78, %eq3A_82 : vector<1024x50xi1>
    %jit3A_84 = arith.constant 1.000000e+00 : f32
    %jit3A_85 = arith.constant 0.000000e+00 : f32
    %broadcast_in_dim3A = vector.broadcast %jit3A_84 : f32 to vector<1024x50xf32>
    %broadcast_in_dim3A_86 = vector.broadcast %jit3A_85 : f32 to vector<1024x50xf32>
    %select_n3A_87 = arith.select %and3A_83, %broadcast_in_dim3A, %broadcast_in_dim3A_86 : vector<1024x50xi1>, vector<1024x50xf32>
    %dot_general3A = arith.constant dense<0.000000e+00> : vector<16x50xf32>
    %dot_general3A_88 = tpu.matmul %get3A_1, %select_n3A_87, %dot_general3A {dimension_numbers = #tpu.dot_dimension_numbers<[1], [0], [0], [1], [0, 0, 1, 1], [], []>, transpose_lhs_hint = false} : vector<16x1024xf32>, vector<1024x50xf32>, vector<16x50xf32> -> vector<16x50xf32>
    %iota3A_89 = tpu.iota {dimensions = array<i32: 1>} : vector<16x50xi32>
    %ge3A = arith.constant 1 : i32
    %ge3A_90 = vector.broadcast %ge3A : i32 to vector<16x50xi32>
    %ge3A_91 = arith.cmpi sge, %iota3A_89, %ge3A_90 : vector<16x50xi32>
    %jit3A_92 = arith.constant -1.000000e+30 : f32
    %broadcast_in_dim3A_93 = vector.broadcast %jit3A_92 : f32 to vector<16x50xf32>
    %select_n3A_94 = arith.select %ge3A_91, %dot_general3A_88, %broadcast_in_dim3A_93 : vector<16x50xi1>, vector<16x50xf32>
    %reduce_max3A = arith.constant dense<0xFF800000> : vector<16xf32>
    %reduce_max3A_95 = vector.multi_reduction <maximumf>, %select_n3A_94, %reduce_max3A [1] : vector<16x50xf32> to vector<16xf32>
    %broadcast_in_dim3A_96 = vector.shape_cast %reduce_max3A_95 : vector<16xf32> to vector<16x1xf32>
    %sub3A_97 = vector.broadcast %broadcast_in_dim3A_96 : vector<16x1xf32> to vector<16x50xf32>
    %sub3A_98 = arith.subf %dot_general3A_88, %sub3A_97 : vector<16x50xf32>
    %exp3A = math.exp %sub3A_98 : vector<16x50xf32>
    %jit3A_99 = arith.constant 0.000000e+00 : f32
    %broadcast_in_dim3A_100 = vector.broadcast %jit3A_99 : f32 to vector<16x50xf32>
    %select_n3A_101 = arith.select %ge3A_91, %exp3A, %broadcast_in_dim3A_100 : vector<16x50xi1>, vector<16x50xf32>
    %iota3A_102 = tpu.iota {dimensions = array<i32: 0>} : vector<50x50xi32>
    %iota3A_103 = tpu.iota {dimensions = array<i32: 1>} : vector<50x50xi32>
    %add3A_104 = arith.constant 1 : i32
    %add3A_105 = vector.broadcast %add3A_104 : i32 to vector<50x50xi32>
    %add3A_106 = arith.addi %iota3A_103, %add3A_105 : vector<50x50xi32>
    %ge3A_107 = arith.cmpi sge, %iota3A_102, %add3A_106 : vector<50x50xi32>
    %jit3A_108 = arith.constant 1.000000e+00 : f32
    %jit3A_109 = arith.constant 0.000000e+00 : f32
    %broadcast_in_dim3A_110 = vector.broadcast %jit3A_108 : f32 to vector<50x50xf32>
    %broadcast_in_dim3A_111 = vector.broadcast %jit3A_109 : f32 to vector<50x50xf32>
    %select_n3A_112 = arith.select %ge3A_107, %broadcast_in_dim3A_110, %broadcast_in_dim3A_111 : vector<50x50xi1>, vector<50x50xf32>
    %dot_general3A_113 = arith.constant dense<0.000000e+00> : vector<16x50xf32>
    %dot_general3A_114 = tpu.matmul %select_n3A_101, %select_n3A_112, %dot_general3A_113 {dimension_numbers = #tpu.dot_dimension_numbers<[1], [0], [0], [1], [0, 0, 1, 1], [], []>, transpose_lhs_hint = false} : vector<16x50xf32>, vector<50x50xf32>, vector<16x50xf32> -> vector<16x50xf32>
    %slice3A = vector.extract_strided_slice %dot_general3A_114 {offsets = [0, 0], sizes = [16, 49], strides = [1, 1]} : vector<16x50xf32> to vector<16x49xf32>
    %log3A = math.log %slice3A : vector<16x49xf32>
    %reduce_sum3A = vector.shape_cast %log3A : vector<16x49xf32> to vector<1x16x49xf32>
    %reduce_sum3A_115 = arith.constant dense<0.000000e+00> : vector<1xf32>
    %reduce_sum3A_116 = vector.multi_reduction <add>, %reduce_sum3A, %reduce_sum3A_115 [1, 2] : vector<1x16x49xf32> to vector<1xf32>
    %reduce_sum3A_117 = vector.shape_cast %reduce_sum3A_116 : vector<1xf32> to vector<1x1x1xf32>
    %reduce_sum3A_118 = vector.extract %reduce_sum3A_117[0, 0, 0] : f32 from vector<1x1x1xf32>
    %reduce_sum3A_119 = vector.shape_cast %broadcast_in_dim3A_96 : vector<16x1xf32> to vector<1x16x1xf32>
    %reduce_sum3A_120 = arith.constant dense<0.000000e+00> : vector<1xf32>
    %reduce_sum3A_121 = vector.multi_reduction <add>, %reduce_sum3A_119, %reduce_sum3A_120 [1, 2] : vector<1x16x1xf32> to vector<1xf32>
    %reduce_sum3A_122 = vector.shape_cast %reduce_sum3A_121 : vector<1xf32> to vector<1x1x1xf32>
    %reduce_sum3A_123 = vector.extract %reduce_sum3A_122[0, 0, 0] : f32 from vector<1x1x1xf32>
    %mul3A_124 = arith.constant 4.900000e+01 : f32
    %mul3A_125 = arith.mulf %mul3A_124, %reduce_sum3A_123 : f32
    %add3A_126 = arith.addf %reduce_sum3A_118, %mul3A_125 : f32
    %slice3A_127 = vector.extract_strided_slice %dot_general3A_88 {offsets = [0, 1], sizes = [16, 49], strides = [1, 1]} : vector<16x50xf32> to vector<16x49xf32>
    %reduce_sum3A_128 = vector.shape_cast %slice3A_127 : vector<16x49xf32> to vector<1x16x49xf32>
    %reduce_sum3A_129 = arith.constant dense<0.000000e+00> : vector<1xf32>
    %reduce_sum3A_130 = vector.multi_reduction <add>, %reduce_sum3A_128, %reduce_sum3A_129 [1, 2] : vector<1x16x49xf32> to vector<1xf32>
    %reduce_sum3A_131 = vector.shape_cast %reduce_sum3A_130 : vector<1xf32> to vector<1x1x1xf32>
    %reduce_sum3A_132 = vector.extract %reduce_sum3A_131[0, 0, 0] : f32 from vector<1x1x1xf32>
    %sub3A_133 = arith.subf %add3A_126, %reduce_sum3A_132 : f32
    %div3A_134 = arith.constant 7.840000e+02 : f32
    %div3A_135 = arith.divf %sub3A_133, %div3A_134 : f32
    %swap3A = arith.constant 0 : index
    %swap3A_136 = arith.constant 0 : index
    %swap3A_137 = memref.load %arg1[%swap3A, %swap3A_136] : memref<1x1xf32, #tpu.memory_space<smem>>
    memref.store %div3A_135, %arg1[%swap3A, %swap3A_136] : memref<1x1xf32, #tpu.memory_space<smem>>
    return
  }
}

</mosaic_0001>

<sc_bundles>
// kernel: kernel.4.cloned.1.call-start
scs
__scs_entry_jumppad:
0x0: {  	(pc) =	sbr.rel $0x88, $3  }
0x1: {  	(tag) =	ssettag $0x0;
	lr =	simm.s32 $0x1  }
0x2: {  	[smem:$0x3F9E] =	sst lr;
	_ =	strace $0xD0000000  }
0x3: {  	_ = 	snop  }
0x4: {  	_ = 	snop  }
0x5: {  	_ = 	snop  }
0x6: {  	_ = 	snop  }
0x7: {  	_ = 	snop  }
__scs_overlays_trampoline_lowered:
0x8: {  	[smem:$0x3FAD] =	sst s0  }
0x9: {  	[smem:$0x3FAE] =	sst s1  }
0xa: {  	[smem:$0x3FAF] =	sst s2  }
0xb: {  	[smem:$0x3FB0] =	sst s3  }
0xc: {  	[smem:$0x3FB1] =	sst s4  }
0xd: {  	[smem:$0x3FB2] =	sst s5  }
0xe: {  	[smem:$0x3FB3] =	sst s6  }
0xf: {  	[smem:$0x3FB4] =	sst s7  }
0x10: {  	[smem:$0x3FB5] =	sst s8  }
0x11: {  	[smem:$0x3FB6] =	sst s9;
	s0 =	simm.s32 @!p0 $0x0  }
0x12: {  	s1 =	sld [smem:$0x3F9C];
	s0 =	simm.s32 @p0 $0x1  }
0x13: {  	[smem:$0x3FB7] =	sst s0;
	s0 =	simm.s32 @!p1 $0x0  }
0x14: {  	s2 =	sld [smem:$0x3F9B];
	s0 =	simm.s32 @p1 $0x1  }
0x15: {  	[smem:$0x3FB8] =	sst s0;
	s0 =	simm.s32 @!p2 $0x0  }
0x16: {  	s3 =	sld [smem:$0x3FDB];
	s0 =	simm.s32 @p2 $0x1  }
0x17: {  	s4 =	simm.s32 $0x1BF5;
	[smem:$0x3FBA] =	sst s0  }
0x18: {  	s0 =	sld [smem:$0x3F9D];
	_ =	swait.ge [sflag:s4], $0x0  }
0x19: {  	s7 =	sld [smem:$0x3F9E]  }
0x1a: {  	s8 =	sadd.s32 $0xFFFFE003, lr  }
0x1b: {  	s9 =	sadd.s32 $0xFFFFFEF7, lr;
	s5 =	simm.s32 $0xFFFFFFFF;
	p2 =	slt.u32 s8, $0xFFFFF086  }
0x1c: {  	p1 =	slt.u32 s9, $0xF7A;
	s5 =	simm.s32 @!p2 $0x0  }
0x1d: {  	s5 =	simm.s32 @p1 $0x1;
	p0 =	seq.s32 s7, s2  }
0x1e: {  	s7 =	smul.u32 @!p0 $0xF7A, s2;
	p2 =	seq.s32 @!p0 s5, $0x0  }
0x1f: {  	s9 =	smul.u32 $0xF7A, s1;
	s8 =	simm.s32 @!p0 $0x1BF5;
	p2 =	por !p2, p0  }
0x20: {  	[sflag:s8] =	ssyncset.s32 @!p0 $0xFFFFF086;
	s6 =	sadd.s32 @!p0 s3, s7;
	s7 =	simm.s32 @!p0 $0x108  }
0x21: {  	s3 =	sadd.s32 s3, s9;
	s6 =	sadd.s32 @!p0 $0x88, s6;
	s7 =	simm.s32 @p2 $0x1082  }
0x22: {  	[simem:s7], [sflag:s8] =	dma.local @!p0 [hbm:s6], $0xF7A  }
0x23: {  	s9 =	sor.u32 $0xD0000000, s2;
	s6 =	simm.s32 $0x108;
	_ =	swait.ge @!p0 [sflag:s8], $0x0  }
0x24: {  	s3 =	sadd.s32 $0x88, s3;
	s6 =	simm.s32 @!p1 $0x1082;
	[sflag:s4] =	ssyncset.s32 $0xFFFFF086  }
0x25: {  	[simem:s6], [sflag:s4] =	dma.local [hbm:s3], $0xF7A  }
0x26: {  	[smem:$0x3F9E] =	sst s1;
	(tag) =	ssettag s2;
	_ =	strace s9  }
0x27: {  	s1 =	sld [smem:$0x3FAE]  }
0x28: {  	s2 =	sld [smem:$0x3FAF]  }
0x29: {  	s4 =	sld [smem:$0x3FB1]  }
0x2a: {  	p0 =	seq.s32 s5, $0x0;
	s5 =	sld [smem:$0x3FB2]  }
0x2b: {  	s6 =	sld [smem:$0x3FB3]  }
0x2c: {  	s7 =	sld [smem:$0x3FB4]  }
0x2d: {  	s3 =	simm.s32 $0x108;
	s8 =	sld [smem:$0x3FB5]  }
0x2e: {  	s3 =	simm.s32 @!p0 $0x1082;
	s9 =	sld [smem:$0x3FB6]  }
0x2f: {  	lr =	sadd.s32 s0, s3;
	s0 =	sld [smem:$0x3FAD]  }
0x30: {  	s3 =	sld [smem:$0x3FB0]  }
0x31: {  	[smem:$0x3FB9] =	sst s10  }
0x32: {  	s10 =	sld [smem:$0x3FB7];
	_ =	sdelay $0x3  }
0x33: {  	p0 =	seq.s32 s10, $0x1;
	s10 =	sld [smem:$0x3FB9];
	_ =	sdelay $0x3  }
0x34: {  	[smem:$0x3FB9] =	sst s10  }
0x35: {  	s10 =	sld [smem:$0x3FB8];
	_ =	sdelay $0x3  }
0x36: {  	p1 =	seq.s32 s10, $0x1;
	s10 =	sld [smem:$0x3FB9];
	_ =	sdelay $0x3  }
0x37: {  	[smem:$0x3FB9] =	sst s10  }
0x38: {  	s10 =	sld [smem:$0x3FBA]  }
0x39: {  	_ = 	snop;
	(pc) =	sbr.ind lr, $3  }
0x3a: {  	_ = 	snop  }
0x3b: {  	_ = 	snop  }
0x3c: {  	p2 =	seq.s32 s10, $0x1;
	s10 =	sld [smem:$0x3FB9]  }
0x3d: {  	_ =	shalt  }
0x3e: {  	_ =	shalt  }
0x3f: {  	_ =	shalt  }
0x40: {  	_ =	shalt  }
0x41: {  	_ =	shalt  }
0x42: {  	_ =	shalt  }
0x43: {  	_ =	shalt  }
0x44: {  	_ =	shalt  }
0x45: {  	_ =	shalt  }
0x46: {  	_ =	shalt  }
0x47: {  	_ =	shalt  }
0x48: {  	_ =	shalt  }
0x49: {  	_ =	shalt  }
0x4a: {  	_ =	shalt  }
0x4b: {  	_ =	shalt  }
0x4c: {  	_ =	shalt  }
0x4d: {  	_ =	shalt  }
0x4e: {  	_ =	shalt  }
0x4f: {  	_ =	shalt  }
0x50: {  	_ =	shalt  }
0x51: {  	_ =	shalt  }
0x52: {  	_ =	shalt  }
0x53: {  	_ =	shalt  }
0x54: {  	_ =	shalt  }
0x55: {  	_ =	shalt  }
0x56: {  	_ =	shalt  }
0x57: {  	_ =	shalt  }
0x58: {  	_ =	shalt  }
0x59: {  	_ =	shalt  }
0x5a: {  	_ =	shalt  }
0x5b: {  	_ =	shalt  }
0x5c: {  	_ =	shalt  }
0x5d: {  	_ =	shalt  }
0x5e: {  	_ =	shalt  }
0x5f: {  	_ =	shalt  }
0x60: {  	_ =	shalt  }
0x61: {  	_ =	shalt  }
0x62: {  	_ =	shalt  }
0x63: {  	_ =	shalt  }
0x64: {  	_ =	shalt  }
0x65: {  	_ =	shalt  }
0x66: {  	_ =	shalt  }
0x67: {  	_ =	shalt  }
0x68: {  	_ =	shalt  }
0x69: {  	_ =	shalt  }
0x6a: {  	_ =	shalt  }
0x6b: {  	_ =	shalt  }
0x6c: {  	_ =	shalt  }
0x6d: {  	_ =	shalt  }
0x6e: {  	_ =	shalt  }
0x6f: {  	_ =	shalt  }
0x70: {  	_ =	shalt  }
0x71: {  	_ =	shalt  }
0x72: {  	_ =	shalt  }
0x73: {  	_ =	shalt  }
0x74: {  	_ =	shalt  }
0x75: {  	_ =	shalt  }
0x76: {  	_ =	shalt  }
0x77: {  	_ =	shalt  }
0x78: {  	_ =	shalt  }
0x79: {  	_ =	shalt  }
0x7a: {  	_ =	shalt  }
0x7b: {  	_ =	shalt  }
0x7c: {  	_ =	shalt  }
0x7d: {  	_ =	shalt  }
0x7e: {  	_ =	shalt  }
0x7f: {  	_ =	shalt  }
0x80: {  	_ =	shalt  }
0x81: {  	_ =	shalt  }
0x82: {  	_ =	shalt  }
0x83: {  	_ =	shalt  }
0x84: {  	_ =	shalt  }
0x85: {  	_ =	shalt  }
0x86: {  	_ =	shalt  }
0x87: {  	_ =	shalt  }
.Lfunc_end0:
.L_simem_size_0:
called_computation_lowered:
.L_overlay_start_0:
0x88: {  	s2 =	sld [smem:$0x3FD9]  }
0x89: {  	s3 =	sld [smem:$0x3FFE];
	_ =	sdelay $0x1  }
0x8a: {  	s1 =	srdreg.scid  }
0x8b: {  	s0 =	sand.u32 $0x1, s1  }
0x8c: {  	s17 =	sshll.u32 s0, $0xA;
	s2 =	sadd.s32 s3, s2  }
0x8d: {  	s2 =	sadd.s32 s2, s17  }
0x8e: {  	[smem:$0x3FC5] =	sst s2  }
0x8f: {  	_ = 	snop  }
0x90: {  	s2 =	sld [smem:$0x3FC9]  }
0x91: {  	s18 =	sld [smem:$0x3FC7];
	(tm) =	ssettm $0x1  }
0x92: {  	s4 =	sld [smem:$0x3FFB];
	_ =	sdelay $0x3  }
0x93: {  	_ =	strace s4  }
0x94: {  	s4 =	sld [smem:$0x3FFC];
	_ =	sdelay $0x3  }
0x95: {  	_ =	strace s4  }
0x96: {  	s4 =	sld [smem:$0x3FFD];
	_ =	sdelay $0x3  }
0x97: {  	_ =	strace s4  }
0x98: {  	_ =	strace $0x8FFFFFFF  }
0x99: {  	s19 =	sld [smem:$0x3FDB];
	_ =	sdelay $0x1  }
0x9a: {  	s5 =	simm.s32 $_scs_section_size  }
0x9b: {  	s6 =	simm.s32 $_size__tile_overlayer_lowered;
	s7 =	simm.s32 $_tile_overlayer_lowered  }
0x9c: {  	s22 =	simm.s32 $0x1BFF;
	s21 =	sshll.u32 s7, $0x1;
	s4 =	sadd.s32 s5, s19  }
0x9d: {  	s8 =	simm.s32 $0x0;
	s20 =	sshll.u32 s6, $0x1;
	s6 =	sadd.s32 s21, s4  }
0x9e: {  	[timem:s8], [sflag:s22] =	dma.local [hbm:s6], s20  }
0x9f: {  	_ =	swait.ge [sflag:s22], s20  }
0xa0: {  	s5 =	ssub.s32 $0x0, s20;
	[sflag:s22] =	ssyncset.done $0x0  }
0xa1: {  	[sflag:s22] =	ssyncadd.s32 s5;
	_ =	sdelay $0x1  }
0xa2: {  	s23 =	simm.s32 $0x1B8B  }
0xa3: {  	_ =	swait.ge [sflag:s23], $0x1  }
0xa4: {  	[sflag:s23] =	ssyncset.done $0x0  }
0xa5: {  	s25 =	simm.s32 $0x1B8E;
	s24 =	sld [smem:$0x3FFE];
	[sflag:s23] =	ssyncadd.s32 $0xFFFFFFFF  }
0xa6: {  	s26 =	simm.s32 $execute0_lowered;
	[smem:$0x3FD2] =	sst s25  }
0xa7: {  	s6 =	sshll.u32 s26, $0x1;
	_ =	strace $0x80000046;
	[dreg:$0x1] =	wrdreg $0xFFFFFFFF  }
0xa8: {  	s28 =	simm.s32 $_size_execute0_lowered;
	s4 =	sadd.s32 s4, s6;
	[dreg:$0x0] =	wrdreg $0x0  }
0xa9: {  	s6 =	sshll.u32 s28, $0x1;
	[dreg:$0x2] =	wrdreg s4  }
0xaa: {  	[dreg:$0x3] =	wrdreg s6  }
0xab: {  	[dreg:$0x4] =	wrdreg $0xC0  }
0xac: {  	_ =	task [dreg:s8], $0x5FFFF  }
0xad: {  	[dreg:$0x1] =	wrdreg $0xFFFFFFFF  }
0xae: {  	[dreg:$0x0] =	wrdreg $0x60  }
0xaf: {  	[dreg:$0x2] =	wrdreg s2  }
0xb0: {  	[dreg:$0x3] =	wrdreg s24  }
0xb1: {  	[dreg:$0x4] =	wrdreg s18  }
0xb2: {  	[dreg:$0x5] =	wrdreg $0x9  }
0xb3: {  	_ =	task.clear_ibuf [dreg:s8], $0x6FFFF;
	_ =	strace $0x90000046  }
0xb4: {  	s29 =	simm.s32 $0x9;
	_ =	strace $0x80000048  }
0xb5: {  	_ =	swait.ge [sflag:s29], $0x1  }
0xb6: {  	[sflag:s29] =	ssyncadd.s32 $0xFFFFFFFF  }
0xb7: {  	_ =	strace $0x90000048  }
0xb8: {  	_ =	sfence  }
0xb9: {  	s30 =	sld [smem:$0x0];
	_ =	sdelay $0x2  }
0xba: {  	s31 =	sshll.u32 s1, $0xD;
	s1 =	sshrl.u32 s1, $0x2  }
0xbb: {  	s3 =	sand.u32 $0x4000, s31;
	s1 =	sadd.s32 s1, s30  }
0xbc: {  	s0 =	sor.u32 s3, s0;
	s1 =	sshll.u32 s1, $0x11  }
0xbd: {  	s0 =	sor.u32 s1, s0  }
0xbe: {  	s0 =	sadd.s32 $0x8F2B, s0  }
0xbf: {  	[sflag:s0] =	ssyncadd.remote.s32 $0x1  }
0xc0: {  	_ =	sfence.sel $0xFFFF  }
0xc1: {  	[dreg:$0x0] =	wrdreg $0xFFFFFFFF;
	(pc) =	sbr.abs _section_cstart, $3  }
0xc2: {  	[dreg:$0x1] =	wrdreg $0xFFFFFFFF  }
0xc3: {  	_ =	task.clear_ibuf [dreg:s8], $0x2FFFF;
	_ =	strace $0x9FFFFFFF  }
0xc4: {  	(tm) =	ssettm $0x7FFFFFFF  }
0xc5: {  	_ =	shalt  }
tec
execute0_lowered:
.L_overlay_start_1:
0x0: {  	(tag) =	ssettag $0x1  }
0x1: {  	s0 =	srdreg.scid  }
0x2: {  	s7 =	stileid.u32;
	s5 =	rddreg [dreg:$0x1]  }
0x3: {  	s4 =	simm.s32 $0x1;
	s6 =	rddreg [dreg:$0x2];
	s3 =	simm.s32 $0x0  }
0x4: {  	s13 =	simm.s32 $0x4;
	s28 =	simm.s32 $0x6980;
	s29 =	simm.s32 $0x7180  }
0x5: {  	s30 =	simm.s32 $0x7980;
	s31 =	simm.s32 $0x3;
	s15 =	simm.s32 $0x8580  }
0x6: {  	s16 =	simm.s32 $0x0;
	s0 =	sand.u32 $0x1, s0;
	s1 =	sshll.u32 s7, $0x1  }
0x7: {  	v0 =	vimm.s32 $0x65432100;
	[smem:$0x7FF] =	sst s3;
	s2 =	sor.u32 s0, s1;
	p1 =	seq.s32 s0, $0x1  }
0x8: {  	v0 =	vunpack.c.l.s4.s8 v0;
	s1 =	rddreg [dreg:$0x0];
	s9 =	sshll.u32 s0, $0xC;
	p0 =	seq.s32 s2, $0x0  }
0x9: {  	s0 =	ssub.s32 $0x2, s0;
	s22 =	smul.u32 $0x19, s2;
	p0 =	por !p0, !p1  }
0xa: {  	s11 =	sshrl.u32 s0, $0x1;
	s2 =	smul.u32 $0x7, s2;
	v1 =	vunpack.c.0.s8.s32 v0;
	p0 =	por !p0, !p0  }
0xb: {  	_ =	strace $0x80000047;
	s0 =	ssub.s32 s0, s11;
	s4 =	simm.s32 @!p0 $0x0  }
0xc: {  	s24 =	sshrl.u32 s22, $0x3;
	v1 =	vadd.s32 s2, v1;
	s2 =	simm.s32 $0x2;
	s8 =	ssub.s32 s7, s4  }
0xd: {  	s25 =	sadd.s32 s24, s5;
	s24 =	simm.s32 $0x5180;
	s4 =	sshll.u32 s8, $0xA  }
0xe: {  	s7 =	sadd.s32 $0x600, s25;
	s10 =	sshll.u32 s8, $0x7;
	s4 =	sand.u32 $0xFFFFE000, s4  }
0xf: {  	s25 =	simm.s32 $0x5980;
	s23 =	sand.u32 $0x380, s10;
	s4 =	sor.u32 s9, s4  }
0x10: {  	s14 =	sshll.u32 s8, $0xB;
	s8 =	sadd.s32 $0x100, s1;
	s4 =	sor.u32 s23, s4  }
0x11: {  	s10 =	sadd.s32 $0x300, s1;
	v0 =	vmov s14;
	s14 =	simm.s32 $0x400;
	s26 =	sshrl.u32 s4, $0x3  }
0x12: {  	v4 =	vlaneseq.u32;
	vm0 =	vmmov $0x1ff;
	s9 =	sadd.s32 $0x200, s1;
	s4 =	simm.s32 $0x1;
	s12 =	sadd.s32 s26, s5  }
0x13: {  	vm1 =	vmmov $0xffff;
	v5 =	vimm.f32 $0.0e+00;
	v3 =	vshrl.u32 v4, $0x3;
	s5 =	sadd.s32 $0x80, s6;
	s6 =	sand.u32 $0x7, s22;
	s26 =	simm.s32 $0x6180  }
0x14: {  	v2 =	vand.u32 $0x7, v4;
	v4 =	vor.u32 $0x8, v4;
	v3 =	vmul.u32 $0x8, v3;
	s11 =	sadd.s32 $0x800, s12;
	s12 =	smax.u32 s0, $0x1;
	s0 =	simm.s32 $0x80  }
.LBB2_1:
0x15: {  	s17 =	simm.s32 $0x8180  }
0x16: {  	[tilespmem:s17], [sflag:$0x3] =	stream.linear.gather [hbm4b:s5+s3], $0x400, $0x38;
	[tilespmem:$0x8780] =	vst v63  }
0x17: {  	_ = 	snop  }
0x18: {  	[tilespmem:s3], [sflag:$0x4] =	stream.linear.gather [hbm4b:s7+s3], $0x20, $0x38;
	[tilespmem:$0x8780] =	vst v63  }
0x19: {  	_ =	swait.ge [sflag:s13], $0x20  }
0x1a: {  	[sflag:s13] =	ssyncset.done $0x0  }
0x1b: {  	[sflag:s13] =	ssyncadd.s32 $0xFFFFFFE0  }
0x1c: {  	v6 =	vld [tilespmem:s6+$0x0];
	_ =	sdelay $0x4  }
0x1d: {  	v6 =	vadd.s32 v0, v6  }
0x1e: {  	[tilespmem:$0x80] =	vst v6  }
0x1f: {  	v6 =	vld [tilespmem:$0x80];
	_ =	sdelay $0x4  }
0x20: {  	v7 =	vshll.u32 v6, $0x3  }
0x21: {  	v6 =	vand.u32 $0x7, v6;
	v7 =	vand.u32 $0xFFFFFFC0, v7  }
0x22: {  	v8 =	vld [tilespmem:s6+$0x10];
	v6 =	vor.u32 v6, v7  }
0x23: {  	v7 =	vperm.xlane v6, v2;
	_ =	sdelay $0x1  }
0x24: {  	v7 =	vadd.s32 v3, v7;
	_ =	sdelay $0x1  }
0x25: {  	v8 =	vadd.s32 v0, v8  }
0x26: {  	v8 =	vsel vm0, v8, v1  }
0x27: {  	s18 =	simm.s32 $0x180;
	[tilespmem:$0x100] =	vst v8  }
0x28: {  	[tilespmem:s18], [sflag:$0x1] =	stream.indirect_vreg.gather [hbm4b:s1+s3], $0x80, v7, vm1, $0xb8;
	[tilespmem:$0x8780] =	vst v63  }
0x29: {  	s23 =	simm.s32 $0x980;
	v6 =	vperm.xlane v6, v4  }
0x2a: {  	[tilespmem:s23], [sflag:$0x1] =	stream.indirect_vreg.gather [hbm4b:s8+s3], $0x80, v7, vm1, $0xb8;
	[tilespmem:$0x8780] =	vst v63  }
0x2b: {  	s19 =	simm.s32 $0x1180;
	v6 =	vadd.s32 v3, v6  }
0x2c: {  	[tilespmem:s19], [sflag:$0x1] =	stream.indirect_vreg.gather [hbm4b:s9+s3], $0x80, v7, vm1, $0xb8;
	[tilespmem:$0x8780] =	vst v63  }
0x2d: {  	s20 =	simm.s32 $0x1980  }
0x2e: {  	[tilespmem:s20], [sflag:$0x1] =	stream.indirect_vreg.gather [hbm4b:s10+s3], $0x80, v7, vm1, $0xb8;
	[tilespmem:$0x8780] =	vst v63  }
0x2f: {  	s21 =	simm.s32 $0x2180  }
0x30: {  	[tilespmem:s21], [sflag:$0x1] =	stream.indirect_vreg.gather [hbm4b:s1+s3], $0x80, v6, vm1, $0xb8;
	[tilespmem:$0x8780] =	vst v63  }
0x31: {  	s22 =	simm.s32 $0x2980  }
0x32: {  	[tilespmem:s22], [sflag:$0x1] =	stream.indirect_vreg.gather [hbm4b:s8+s3], $0x80, v6, vm1, $0xb8;
	[tilespmem:$0x8780] =	vst v63  }
0x33: {  	s23 =	simm.s32 $0x3180  }
0x34: {  	[tilespmem:s23], [sflag:$0x1] =	stream.indirect_vreg.gather [hbm4b:s9+s3], $0x80, v6, vm1, $0xb8;
	[tilespmem:$0x8780] =	vst v63  }
0x35: {  	s19 =	simm.s32 $0x3980  }
0x36: {  	[tilespmem:s19], [sflag:$0x1] =	stream.indirect_vreg.gather [hbm4b:s10+s3], $0x80, v6, vm1, $0xb8;
	[tilespmem:$0x8780] =	vst v63  }
0x37: {  	v6 =	vld [tilespmem:$0x100];
	_ =	sdelay $0x4  }
0x38: {  	v7 =	vshll.u32 v6, $0x3  }
0x39: {  	v6 =	vand.u32 $0x7, v6;
	v7 =	vand.u32 $0xFFFFFFC0, v7  }
0x3a: {  	v6 =	vor.u32 v6, v7  }
0x3b: {  	v7 =	vperm.xlane v6, v2;
	_ =	sdelay $0x1  }
0x3c: {  	v7 =	vadd.s32 v3, v7;
	_ =	sdelay $0x3  }
0x3d: {  	s20 =	simm.s32 $0x4180  }
0x3e: {  	[tilespmem:s20], [sflag:$0x2] =	stream.indirect_vreg.gather [hbm4b:s1+s3], $0x80, v7, vm1, $0xb8;
	[tilespmem:$0x8780] =	vst v63  }
0x3f: {  	s21 =	simm.s32 $0x4980;
	v6 =	vperm.xlane v6, v4  }
0x40: {  	[tilespmem:s21], [sflag:$0x2] =	stream.indirect_vreg.gather [hbm4b:s8+s3], $0x80, v7, vm1, $0xb8;
	[tilespmem:$0x8780] =	vst v63  }
0x41: {  	v6 =	vadd.s32 v3, v6  }
0x42: {  	[tilespmem:s24], [sflag:$0x2] =	stream.indirect_vreg.gather [hbm4b:s9+s3], $0x80, v7, vm1, $0xb8;
	[tilespmem:$0x8780] =	vst v63  }
0x43: {  	_ = 	snop  }
0x44: {  	[tilespmem:s25], [sflag:$0x2] =	stream.indirect_vreg.gather [hbm4b:s10+s3], $0x80, v7, vm1, $0xb8;
	[tilespmem:$0x8780] =	vst v63  }
0x45: {  	_ = 	snop  }
0x46: {  	[tilespmem:s26], [sflag:$0x2] =	stream.indirect_vreg.gather [hbm4b:s1+s3], $0x80, v6, vm1, $0xb8;
	[tilespmem:$0x8780] =	vst v63  }
0x47: {  	_ = 	snop  }
0x48: {  	[tilespmem:s28], [sflag:$0x2] =	stream.indirect_vreg.gather [hbm4b:s8+s3], $0x80, v6, vm1, $0xb8;
	[tilespmem:$0x8780] =	vst v63  }
0x49: {  	_ = 	snop  }
0x4a: {  	[tilespmem:s29], [sflag:$0x2] =	stream.indirect_vreg.gather [hbm4b:s9+s3], $0x80, v6, vm1, $0xb8;
	[tilespmem:$0x8780] =	vst v63  }
0x4b: {  	_ = 	snop  }
0x4c: {  	[tilespmem:s30], [sflag:$0x2] =	stream.indirect_vreg.gather [hbm4b:s10+s3], $0x80, v6, vm1, $0xb8;
	[tilespmem:$0x8780] =	vst v63  }
0x4d: {  	_ =	swait.ge [sflag:s31], $0x400  }
0x4e: {  	[sflag:s31] =	ssyncset.done $0x0  }
0x4f: {  	[sflag:s31] =	ssyncadd.s32 $0xFFFFFC00  }
0x50: {  	_ =	swait.ge [sflag:s4], $0x4000  }
0x51: {  	[sflag:s4] =	ssyncset.done $0x0  }
0x52: {  	s22 =	sand.u32 $0x70, s3;
	s19 =	sand.u32 $0x1C00, s3;
	[sflag:s4] =	ssyncadd.s32 $0xFFFFC000  }
0x53: {  	s20 =	sor.u32 s22, s19;
	v6 =	vld [tilespmem:s17+$0x0]  }
0x54: {  	v7 =	vld [tilespmem:s20+$0x2500]  }
0x55: {  	v8 =	vld [tilespmem:s20+$0x180]  }
0x56: {  	v9 =	vld [tilespmem:s20+$0x200]  }
0x57: {  	v10 =	vld [tilespmem:s20+$0x280]  }
0x58: {  	v11 =	vld [tilespmem:s20+$0x300]  }
0x59: {  	v12 =	vld [tilespmem:s20+$0x380]  }
0x5a: {  	v19 =	vld [tilespmem:s20+$0x2180]  }
0x5b: {  	v20 =	vld [tilespmem:s20+$0x2200]  }
0x5c: {  	s23 =	sor.u32 s3, s3;
	v16 =	vld [tilespmem:s20+$0x400]  }
0x5d: {  	s17 =	sor.u32 $0x380, s23;
	v17 =	vld [tilespmem:s20+$0x480]  }
0x5e: {  	v21 =	vimm.f32 $0.0e+00;
	v18 =	vld [tilespmem:s17+$0x180];
	v7 =	vmul.f32 v7, v6;
	v8 =	vmul.f32 v8, v6  }
0x5f: {  	v22 =	vimm.f32 $0.0e+00;
	v9 =	vmul.f32 v9, v6;
	v28 =	vmul.f32 v19, v6  }
0x60: {  	v29 =	vmul.f32 v20, v6;
	v19 =	vimm.f32 $0.0e+00;
	v14 =	vadd.f32 v7, v5  }
0x61: {  	v15 =	vadd.f32 v8, v5;
	v7 =	vmul.f32 v10, v6;
	v8 =	vmul.f32 v11, v6  }
0x62: {  	v25 =	vld [tilespmem:s20+$0x2280];
	v13 =	vadd.f32 v9, v5;
	v9 =	vmul.f32 v12, v6;
	v10 =	vmul.f32 v16, v6  }
0x63: {  	v24 =	vld [tilespmem:s20+$0x2300];
	v20 =	vimm.f32 $0.0e+00;
	v11 =	vmul.f32 v17, v6;
	v16 =	vmul.f32 v18, v6  }
0x64: {  	v23 =	vld [tilespmem:s20+$0x2380];
	v18 =	vimm.f32 $0.0e+00;
	v12 =	vadd.f32 v7, v5;
	v7 =	vadd.f32 v8, v5  }
0x65: {  	s18 =	simm.s32 $0x10;
	s19 =	simm.s32 $0x8190;
	v26 =	vld [tilespmem:s20+$0x2400];
	s17 =	simm.s32 $0x80;
	v17 =	vimm.f32 $0.0e+00;
	v8 =	vadd.f32 v9, v5;
	v9 =	vadd.f32 v10, v5  }
0x66: {  	s22 =	sand.u32 $0x70, s18;
	v27 =	vld [tilespmem:s20+$0x2480];
	s20 =	simm.s32 $0x20;
	s23 =	sand.u32 $0x1C00, s17;
	v10 =	vadd.f32 v11, v5;
	v11 =	vadd.f32 v16, v5;
	v16 =	vimm.f32 $0.0e+00  }
.LBB2_2:
0x67: {  	p0 =	sne.s32 s20, $0x3F0;
	v30 =	vld [tilespmem:s19+$0x0];
	s21 =	sor.u32 s22, s23;
	s18 =	sor.u32 s17, s18;
	v18 =	vadd.f32 v28, v18;
	v25 =	vmul.f32 v25, v6  }
0x68: {  	s22 =	sor.u32 $0x380, s18;
	v28 =	vld [tilespmem:s21+$0x2500];
	v21 =	vadd.f32 v29, v21;
	v24 =	vmul.f32 v24, v6;
	s18 =	smov.u32 s20  }
0x69: {  	v29 =	vld [tilespmem:s21+$0x180];
	v22 =	vadd.f32 v25, v22;
	v23 =	vmul.f32 v23, v6  }
0x6a: {  	v25 =	vld [tilespmem:s21+$0x200];
	v19 =	vadd.f32 v24, v19;
	v24 =	vmul.f32 v26, v6  }
0x6b: {  	v26 =	vld [tilespmem:s21+$0x280];
	v20 =	vadd.f32 v23, v20;
	v23 =	vmul.f32 v27, v6  }
0x6c: {  	v27 =	vld [tilespmem:s21+$0x300];
	v16 =	vadd.f32 v24, v16;
	v6 =	vmov v30  }
0x6d: {  	v24 =	vld [tilespmem:s21+$0x380];
	v28 =	vmul.f32 v28, v6;
	v17 =	vadd.f32 v23, v17  }
0x6e: {  	v23 =	vmul.f32 v29, v6;
	v29 =	vld [tilespmem:s21+$0x400]  }
0x6f: {  	v25 =	vmul.f32 v25, v6;
	v30 =	vld [tilespmem:s21+$0x480];
	v14 =	vadd.f32 v28, v14  }
0x70: {  	v15 =	vadd.f32 v23, v15;
	v23 =	vmul.f32 v26, v6;
	v26 =	vld [tilespmem:s22+$0x180]  }
0x71: {  	v13 =	vadd.f32 v25, v13;
	v25 =	vmul.f32 v27, v6;
	v27 =	vld [tilespmem:s21+$0x2180]  }
0x72: {  	v12 =	vadd.f32 v23, v12;
	v23 =	vmul.f32 v24, v6;
	v31 =	vld [tilespmem:s21+$0x2200]  }
.Ltmp0:
0x73: {  	v7 =	vadd.f32 v25, v7;
	v28 =	vmul.f32 v29, v6;
	v25 =	vld [tilespmem:s21+$0x2280];
	(pc) =	sbr.rel @p0 .LBB2_2-.Ltmp0, $4  }
0x74: {  	v8 =	vadd.f32 v23, v8;
	v29 =	vmul.f32 v30, v6;
	v24 =	vld [tilespmem:s21+$0x2300]  }
0x75: {  	v9 =	vadd.f32 v28, v9;
	v30 =	vmul.f32 v26, v6;
	v23 =	vld [tilespmem:s21+$0x2380]  }
0x76: {  	s17 =	sadd.s32 $0x80, s17;
	s19 =	sadd.s32 $0x10, s19;
	v10 =	vadd.f32 v29, v10;
	v28 =	vmul.f32 v27, v6;
	v26 =	vld [tilespmem:s21+$0x2400]  }
0x77: {  	s23 =	sand.u32 $0x1C00, s17;
	s20 =	sadd.s32 $0x10, s20;
	s22 =	sand.u32 $0x70, s18;
	v11 =	vadd.f32 v30, v11;
	v29 =	vmul.f32 v31, v6;
	v27 =	vld [tilespmem:s21+$0x2480]  }
0x78: {  	v30 =	vld [tilespmem:s19+$0x0];
	s20 =	sor.u32 s22, s23  }
0x79: {  	v31 =	vld [tilespmem:s20+$0x2500]  }
0x7a: {  	v32 =	vld [tilespmem:s20+$0x180]  }
0x7b: {  	v33 =	vld [tilespmem:s20+$0x200]  }
0x7c: {  	v34 =	vld [tilespmem:s20+$0x280]  }
0x7d: {  	v35 =	vld [tilespmem:s20+$0x300]  }
0x7e: {  	v36 =	vld [tilespmem:s20+$0x380]  }
0x7f: {  	v37 =	vld [tilespmem:s20+$0x400]  }
0x80: {  	v38 =	vld [tilespmem:s20+$0x480]  }
0x81: {  	v40 =	vld [tilespmem:s20+$0x2180]  }
0x82: {  	v25 =	vmul.f32 v25, v6;
	v41 =	vld [tilespmem:s20+$0x2200]  }
0x83: {  	v28 =	vadd.f32 v28, v18;
	v42 =	vld [tilespmem:s20+$0x2280];
	v18 =	vmul.f32 v24, v6  }
0x84: {  	v24 =	vld [tilespmem:s20+$0x2380];
	v25 =	vadd.f32 v25, v22;
	v22 =	vmul.f32 v23, v6  }
0x85: {  	s17 =	sor.u32 s17, s18;
	v43 =	vld [tilespmem:s20+$0x2300];
	v19 =	vadd.f32 v18, v19;
	v18 =	vmul.f32 v26, v6  }
0x86: {  	s17 =	sor.u32 $0x380, s17;
	v21 =	vadd.f32 v29, v21;
	v29 =	vld [tilespmem:s20+$0x2400];
	v6 =	vmul.f32 v27, v6;
	v27 =	vadd.f32 v22, v20  }
0x87: {  	v39 =	vld [tilespmem:s17+$0x180];
	v20 =	vmul.f32 v31, v30;
	v22 =	vmul.f32 v32, v30;
	v31 =	vadd.f32 v18, v16  }
0x88: {  	s21 =	simm.s32 $0x0;
	v26 =	vld [tilespmem:s20+$0x2480];
	_ =	swait.ge [sflag:s2], $0x4000;
	v17 =	vadd.f32 v6, v17;
	v16 =	vmul.f32 v33, v30;
	v18 =	vmul.f32 v36, v30  }
0x89: {  	s23 =	sand.u32 $0x70, s21;
	s20 =	sand.u32 $0x1C00, s21;
	[sflag:s2] =	ssyncset.done $0x0;
	v24 =	vmul.f32 v24, v30;
	v6 =	vadd.f32 v20, v14;
	v14 =	vadd.f32 v22, v15  }
0x8a: {  	s19 =	sor.u32 s23, s20;
	[sflag:s2] =	ssyncadd.s32 $0xFFFFC000;
	v15 =	vmul.f32 v34, v30;
	v13 =	vadd.f32 v16, v13;
	v16 =	vmul.f32 v35, v30  }
0x8b: {  	v60 =	vld [tilespmem:s19+$0x6180];
	v20 =	vmul.f32 v37, v30;
	v22 =	vmul.f32 v38, v30  }
0x8c: {  	v61 =	vld [tilespmem:s19+$0x4180];
	v8 =	vadd.f32 v18, v8;
	v16 =	vadd.f32 v16, v7;
	v7 =	vmul.f32 v39, v30  }
0x8d: {  	s22 =	simm.s32 $0x8180;
	v62 =	vld [tilespmem:s19+$0x4200];
	v15 =	vadd.f32 v15, v12;
	v9 =	vadd.f32 v20, v9;
	v20 =	vmul.f32 v40, v30  }
0x8e: {  	v12 =	vld [tilespmem:s22+$0x0];
	v18 =	vadd.f32 v7, v11;
	v7 =	vmul.f32 v41, v30;
	v11 =	vmul.f32 v42, v30  }
0x8f: {  	v63 =	vld [tilespmem:s19+$0x4280];
	v10 =	vadd.f32 v22, v10;
	v20 =	vadd.f32 v20, v28;
	v28 =	vmul.f32 v43, v30  }
0x90: {  	v22 =	vadd.f32 v7, v21;
	v23 =	vadd.f32 v11, v25;
	v7 =	vmul.f32 v29, v30  }
0x91: {  	v21 =	vadd.f32 v28, v19;
	v19 =	vadd.f32 v24, v27;
	v24 =	vmul.f32 v26, v30  }
0x92: {  	v33 =	vld [tilespmem:s19+$0x4300];
	v27 =	vimm.f32 $0.0e+00;
	v30 =	vimm.f32 $0.0e+00;
	v29 =	vimm.f32 $0.0e+00  }
0x93: {  	v34 =	vld [tilespmem:s19+$0x4380];
	v28 =	vimm.f32 $0.0e+00;
	v25 =	vmul.f32 v61, v12;
	v37 =	vmul.f32 v62, v12  }
0x94: {  	s18 =	sor.u32 s21, s21;
	s17 =	simm.s32 $0x10;
	v35 =	vld [tilespmem:s19+$0x4400];
	v38 =	vmul.f32 v63, v12;
	v11 =	vadd.f32 v7, v31;
	v7 =	vmul.f32 v60, v12  }
0x95: {  	s21 =	sand.u32 $0x70, s17;
	s23 =	sor.u32 $0x380, s18;
	s18 =	simm.s32 $0x80;
	v32 =	vld [tilespmem:s19+$0x4480];
	v17 =	vadd.f32 v24, v17;
	v31 =	vimm.f32 $0.0e+00;
	v24 =	vimm.f32 $0.0e+00  }
0x96: {  	s20 =	simm.s32 $0x20;
	v36 =	vld [tilespmem:s23+$0x4180];
	s19 =	simm.s32 $0x8190;
	s22 =	sand.u32 $0x1C00, s18;
	v26 =	vadd.f32 v25, v27;
	v25 =	vimm.f32 $0.0e+00;
	v7 =	vadd.f32 v7, v27  }
.LBB2_4:
0x97: {  	p0 =	sne.s32 s20, $0x3F0;
	v39 =	vld [tilespmem:s19+$0x0];
	s21 =	sor.u32 s21, s22;
	s17 =	sor.u32 s18, s17;
	v27 =	vadd.f32 v37, v27;
	v33 =	vmul.f32 v33, v12  }
0x98: {  	s23 =	sor.u32 $0x380, s17;
	v37 =	vld [tilespmem:s21+$0x6180];
	v31 =	vadd.f32 v38, v31;
	v34 =	vmul.f32 v34, v12;
	s17 =	smov.u32 s20  }
0x99: {  	v38 =	vld [tilespmem:s21+$0x4180];
	v30 =	vadd.f32 v33, v30;
	v33 =	vmul.f32 v35, v12  }
0x9a: {  	v40 =	vld [tilespmem:s21+$0x4200];
	v29 =	vadd.f32 v34, v29;
	v32 =	vmul.f32 v32, v12  }
0x9b: {  	v41 =	vld [tilespmem:s21+$0x4280];
	v28 =	vadd.f32 v33, v28;
	v35 =	vmul.f32 v36, v12  }
.Ltmp1:
0x9c: {  	v33 =	vld [tilespmem:s21+$0x4300];
	v25 =	vadd.f32 v32, v25;
	v12 =	vmov v39;
	(pc) =	sbr.rel @p0 .LBB2_4-.Ltmp1, $4  }
0x9d: {  	v34 =	vld [tilespmem:s21+$0x4380];
	v36 =	vmul.f32 v37, v12;
	v24 =	vadd.f32 v35, v24  }
0x9e: {  	v38 =	vmul.f32 v38, v12;
	v35 =	vld [tilespmem:s21+$0x4400]  }
0x9f: {  	s18 =	sadd.s32 $0x80, s18;
	s19 =	sadd.s32 $0x10, s19;
	v37 =	vmul.f32 v40, v12;
	v32 =	vld [tilespmem:s21+$0x4480];
	v7 =	vadd.f32 v36, v7  }
0xa0: {  	s22 =	sand.u32 $0x1C00, s18;
	s20 =	sadd.s32 $0x10, s20;
	s21 =	sand.u32 $0x70, s17;
	v26 =	vadd.f32 v38, v26;
	v38 =	vmul.f32 v41, v12;
	v36 =	vld [tilespmem:s23+$0x4180]  }
0xa1: {  	v39 =	vld [tilespmem:s19+$0x0];
	s23 =	sor.u32 s21, s22  }
0xa2: {  	v40 =	vld [tilespmem:s23+$0x6180]  }
0xa3: {  	v41 =	vld [tilespmem:s23+$0x4180]  }
0xa4: {  	v42 =	vld [tilespmem:s23+$0x4200]  }
0xa5: {  	v43 =	vld [tilespmem:s23+$0x4280]  }
0xa6: {  	v44 =	vld [tilespmem:s23+$0x4300]  }
0xa7: {  	v45 =	vld [tilespmem:s23+$0x4380]  }
0xa8: {  	s17 =	sor.u32 s18, s17;
	v46 =	vld [tilespmem:s23+$0x4400]  }
0xa9: {  	s17 =	sor.u32 $0x380, s17;
	v47 =	vld [tilespmem:s23+$0x4480]  }
0xaa: {  	v48 =	vld [tilespmem:s17+$0x4180];
	[tilespmem:$0x8580] =	vst v14  }
0xab: {  	[tilespmem:$0x8590] =	vst v13  }
0xac: {  	[tilespmem:$0x85A0] =	vst v15  }
0xad: {  	[tilespmem:$0x85B0] =	vst v16  }
0xae: {  	[tilespmem:$0x85C0] =	vst v8  }
0xaf: {  	[tilespmem:$0x85D0] =	vst v9  }
0xb0: {  	[tilespmem:$0x85E0] =	vst v10  }
0xb1: {  	[tilespmem:$0x85F0] =	vst v18  }
0xb2: {  	[tilespmem:$0x8600] =	vst v20  }
0xb3: {  	[tilespmem:$0x8610] =	vst v22  }
0xb4: {  	[tilespmem:$0x8620] =	vst v23  }
0xb5: {  	[tilespmem:$0x8630] =	vst v21  }
0xb6: {  	[tilespmem:$0x8640] =	vst v19  }
0xb7: {  	[tilespmem:$0x8650] =	vst v11  }
0xb8: {  	[tilespmem:$0x8660] =	vst v17  }
0xb9: {  	[tilespmem:$0x8670] =	vst v6  }
0xba: {  	[tilespmem:$0x8710] =	vst v5  }
0xbb: {  	[tilespmem:$0x8720] =	vst v5  }
0xbc: {  	v27 =	vadd.f32 v37, v27;
	v33 =	vmul.f32 v33, v12;
	[tilespmem:$0x8730] =	vst v5  }
0xbd: {  	v37 =	vadd.f32 v38, v31;
	v38 =	vmul.f32 v34, v12;
	[tilespmem:$0x8740] =	vst v5;
	v41 =	vmul.f32 v41, v39  }
0xbe: {  	v9 =	vadd.f32 v33, v30;
	v49 =	vmul.f32 v35, v12;
	[tilespmem:$0x8750] =	vst v5;
	v50 =	vmul.f32 v42, v39  }
0xbf: {  	[tilespmem:$0x8760] =	vst v5;
	v51 =	vadd.f32 v38, v29;
	v53 =	vmul.f32 v43, v39;
	v52 =	vadd.f32 v41, v26  }
0xc0: {  	[tilespmem:$0x8770] =	vst v5;
	v54 =	vmul.f32 v32, v12;
	v55 =	vmul.f32 v44, v39;
	v8 =	vadd.f32 v50, v27  }
0xc1: {  	v6 =	vadd.f32 v49, v28;
	v56 =	vmul.f32 v45, v39;
	v10 =	vadd.f32 v53, v37;
	[tilespmem:$0x8680] =	vst v52  }
0xc2: {  	v57 =	vmul.f32 v36, v12;
	v58 =	vmul.f32 v46, v39;
	v9 =	vadd.f32 v55, v9;
	[tilespmem:$0x8690] =	vst v8  }
0xc3: {  	v59 =	vadd.f32 v54, v25;
	v60 =	vmul.f32 v47, v39;
	v11 =	vadd.f32 v56, v51;
	[tilespmem:$0x86A0] =	vst v10  }
0xc4: {  	v61 =	vadd.f32 v57, v24;
	v62 =	vmul.f32 v48, v39;
	v6 =	vadd.f32 v58, v6;
	[tilespmem:$0x86B0] =	vst v9  }
0xc5: {  	v63 =	vmul.f32 v40, v39;
	v8 =	vadd.f32 v60, v59;
	[tilespmem:$0x86C0] =	vst v11  }
0xc6: {  	v10 =	vadd.f32 v62, v61;
	[tilespmem:$0x86D0] =	vst v6  }
0xc7: {  	s16 =	sadd.s32 $0x1, s16;
	v6 =	vadd.f32 v63, v7;
	[tilespmem:$0x86E0] =	vst v8  }
0xc8: {  	p0 =	sne.s32 s16, s12;
	[tilespmem:$0x86F0] =	vst v10  }
.Ltmp2:
0xc9: {  	[tilespmem:$0x8700] =	vst v6;
	(pc) =	sbr.rel @p0 .LBB2_1-.Ltmp2, $4  }
0xca: {  	[hbm4b:s11+s0] =	stream.strided.scatter [tilespmem:s15], [sflag:$0x4], $0x200, s14, s0, $0x38;
	[tilespmem:$0x8780] =	vst v63  }
0xcb: {  	_ =	swait.ge [sflag:s13], $0x200  }
0xcc: {  	[sflag:s13] =	ssyncset.done $0x0  }
0xcd: {  	[sflag:s13] =	ssyncadd.s32 $0xFFFFFE00  }
0xce: {  	_ =	sfence.sel $0x180000  }
0xcf: {  	[bflag:$0x0] =	sbarrier.arrive $0xFFFF  }
0xd0: {  	_ =	strace $0x90000047  }
0xd1: {  	s0 =	stileid.u32;
	[bflag:$0x2] =	sbarrier.arrive $0xFFFF  }
0xd2: {  	p0 =	sne.s32 s0, $0x0;
	s0 =	rddreg [dreg:$0x3]  }
0xd3: {  	s0 =	sadd.s32 @!p0 $0x100000, s0  }
0xd4: {  	[sflag:s0] =	ssyncadd.tile.s32 @!p0 $0x1;
	_ =	shalt  }
.Lfunc_end2:
_tile_overlayer_lowered:
.L_overlay_start_2:
0xd5: {  	(tag) =	ssettag $0x2  }
0xd6: {  	s0 =	rddreg [dreg:$0x0];
	s2 =	stileid.u32  }
0xd7: {  	s1 =	rddreg [dreg:$0x1];
	p0 =	sne.s32 s2, $0x0  }
0xd8: {  	s3 =	rddreg [dreg:$0x2];
	[bflag:$0x3] =	sbarrier.arrive $0xFFFF;
	s2 =	simm.s32 @!p0 $0x1C04  }
0xd9: {  	[timem:s3], [sflag:s2] =	dma.local @!p0 [hbm:s0], s1  }
0xda: {  	s0 =	simm.s32 @!p0 $0x4  }
0xdb: {  	_ =	swait.ge @!p0 [sflag:s0], s1  }
0xdc: {  	s1 =	ssub.s32 @!p0 $0x0, s1;
	[sflag:s0] =	ssyncset.done @!p0 $0x0  }
0xdd: {  	[sflag:s0] =	ssyncadd.s32 @!p0 s1  }
0xde: {  	[bflag:$0x3] =	sbarrier.arrive $0xFFFF  }
0xdf: {  	_ =	shalt  }

</sc_bundles>
